<compile_context>
chip_gen: v7x
topology: tpu7x:2x2x1
jax: 0.10.2.dev20260603
libtpu: 0.0.44.dev20260713+nightly
codegen_flags: <defaults>
</compile_context>

<pallas_src>
import functools

import jax
import jax.numpy as jnp
from jax import lax
from jax.experimental import pallas as pl
from jax.experimental.pallas import tpu as pltpu
from jax.experimental.pallas import tpu_sc as plsc

N_NODES = 10000
N_EDGES = 320000
LATENT = 128

SC_NC = 2
SC_NS = 16
SC_NW = SC_NC * SC_NS

G_GROUP = 8
G_HALF = 4
G_ROWS_PAD = 5376
G_PER_W = G_ROWS_PAD // SC_NW
G_NGROUP = G_PER_W // G_GROUP


def _sc_gather(idx2d, table):
    mesh = plsc.VectorSubcoreMesh(core_axis_name="c", subcore_axis_name="s")

    @functools.partial(
        pl.kernel,
        out_type=jax.ShapeDtypeStruct((G_ROWS_PAD * 128, LATENT), jnp.float32),
        mesh=mesh,
        scratch_types=[
            pltpu.VMEM((G_GROUP, 128), jnp.int32),
            pltpu.VMEM((G_HALF * 128, LATENT), jnp.float32),
            pltpu.SemaphoreType.DMA,
        ],
        compiler_params=pltpu.CompilerParams(needs_layout_passes=False),
    )
    def gather_kernel(idx_hbm, table_hbm, out_hbm, idx_v, rows_v, sem):
        wid = lax.axis_index("s") * SC_NC + lax.axis_index("c")
        row0 = wid * G_PER_W

        def body(i, carry):
            r0 = row0 + i * G_GROUP
            pltpu.sync_copy(idx_hbm.at[pl.ds(r0, G_GROUP)], idx_v)
            for h in range(G_GROUP // G_HALF):
                cps = []
                for j in range(G_HALF):
                    cps.append(pltpu.async_copy(
                        table_hbm.at[idx_v.at[h * G_HALF + j]],
                        rows_v.at[pl.ds(j * 128, 128)], sem))
                for cp in cps:
                    cp.wait()
                pltpu.sync_copy(
                    rows_v,
                    out_hbm.at[pl.ds(
                        pl.multiple_of((r0 + h * G_HALF) * 128, 128),
                        G_HALF * 128)])
            return carry

        lax.fori_loop(0, G_NGROUP, body, 0)

    return gather_kernel(idx2d, table)


S_PER_W = N_EDGES // SC_NW
S_CHUNK = 2000
S_NCHUNK = S_PER_W // S_CHUNK
S_INNER = S_CHUNK // 16
ACC_W = N_NODES * 8


def _sc_scatter(ridx, ft):
    mesh = plsc.VectorSubcoreMesh(core_axis_name="c", subcore_axis_name="s")

    @functools.partial(
        pl.kernel,
        out_type=jax.ShapeDtypeStruct((SC_NW * ACC_W,), jnp.float32),
        mesh=mesh,
        scratch_types=[
            pltpu.VMEM((S_CHUNK,), jnp.int32),
            pltpu.VMEM((S_CHUNK * 8,), jnp.float32),
            pltpu.VMEM((ACC_W,), jnp.float32),
        ],
        compiler_params=pltpu.CompilerParams(needs_layout_passes=False),
    )
    def scatter_kernel(ridx_hbm, ft_hbm, out_hbm, idx_v, vals_v, acc):
        wid = lax.axis_index("s") * SC_NC + lax.axis_index("c")
        zero16 = jnp.zeros((16,), jnp.float32)

        def zbody(k, carry):
            acc[pl.ds(k * 16, 16)] = zero16
            return carry

        lax.fori_loop(0, ACC_W // 16, zbody, 0)

        def chunk_body(i, carry):
            base = pl.multiple_of(wid * S_PER_W + i * S_CHUNK, 8)
            pltpu.sync_copy(ridx_hbm.at[pl.ds(base, S_CHUNK)], idx_v)
            pltpu.sync_copy(
                ft_hbm.at[pl.ds(pl.multiple_of(base * 8, 8), S_CHUNK * 8)],
                vals_v)
            lane = lax.iota(jnp.int32, 16)

            def vbody(j, carry2):
                ebase = (j * 16 + lane) * 8
                nidx = idx_v[pl.ds(j * 16, 16)]
                abase = nidx * 8
                for c in range(6):
                    v = plsc.load_gather(vals_v, [ebase + c])
                    plsc.addupdate_scatter(acc, [abase + c], v)
                return carry2

            lax.fori_loop(0, S_INNER, vbody, 0)
            return carry

        lax.fori_loop(0, S_NCHUNK, chunk_body, 0)
        pltpu.sync_copy(
            acc, out_hbm.at[pl.ds(pl.multiple_of(wid * ACC_W, 8), ACC_W)])

    return scatter_kernel(ridx, ft)


TE = 1280


def _ln(y, g, b):
    mu = jnp.mean(y, axis=1, keepdims=True)
    var = jnp.mean((y - mu) ** 2, axis=1, keepdims=True)
    return (y - mu) / jnp.sqrt(var + 1e-5) * g + b


def _main_body(a_ref, b_ref, gs_ref, gr_ref,
               m_ref, b1n_ref, w2n_ref, b2n_ref, gn_ref, bn_ref,
               w1e0_ref, b1e_ref, w2e_ref, b2e_ref, ge_ref, be_ref,
               wie_ref, b1i_ref, w2i_ref, b2i_ref, gi_ref, bi_ref,
               wcat_ref, bcat_ref, wblk_ref, bblk_ref,
               il_ref, ft_ref):
    f32 = jnp.float32
    a = a_ref[...]
    b = b_ref[...]
    p = a * b
    srn = jnp.dot(p, m_ref[...], preferred_element_type=f32)
    s_pre = srn[:, 0:128] + b1n_ref[...]
    r_pre = srn[:, 128:256] + b1n_ref[...]
    ndx = jnp.sqrt(srn[:, 384:385])
    e_pre = srn[:, 256:384] + ndx * w1e0_ref[...] + b1e_ref[...]

    h_sr = jnp.concatenate(
        [jnp.maximum(s_pre, 0.0), jnp.maximum(r_pre, 0.0)], axis=0)
    y_sr = jnp.dot(h_sr, w2n_ref[...], preferred_element_type=f32) + b2n_ref[...]
    y_sr = _ln(y_sr, gn_ref[...], bn_ref[...])
    sr = y_sr[:TE] + y_sr[TE:]

    y_e = jnp.dot(jnp.maximum(e_pre, 0.0), w2e_ref[...],
                  preferred_element_type=f32) + b2e_ref[...]
    el = _ln(y_e, ge_ref[...], be_ref[...])

    gsum = gs_ref[...] + gr_ref[...]
    x = jnp.concatenate([sr, gsum, el], axis=1)
    h_i = jnp.maximum(jnp.dot(x, wie_ref[...], preferred_element_type=f32)
                      + b1i_ref[...], 0.0)
    y_i = jnp.dot(h_i, w2i_ref[...], preferred_element_type=f32) + b2i_ref[...]
    il = _ln(y_i, gi_ref[...], bi_ref[...])
    il_ref[...] = il

    hh = jnp.maximum(jnp.dot(il, wcat_ref[...], preferred_element_type=f32)
                     + bcat_ref[...], 0.0)
    cc = jnp.dot(hh, wblk_ref[...], preferred_element_type=f32) + bblk_ref[...]

    va = a[:, 0:3]
    vb = a[:, 3:6]
    vc = a[:, 6:9]
    lever = a[:, 39:42] - b[:, 39:42]
    fij = cc[:, 0:1] * va + cc[:, 1:2] * vb + cc[:, 2:3] * vc
    aij = cc[:, 3:4] * va + cc[:, 4:5] * vb + cc[:, 5:6] * vc
    fl = fij * cc[:, 6:7]

    def col(z, i):
        return z[:, i:i + 1]

    mx = col(lever, 1) * col(fl, 2) - col(lever, 2) * col(fl, 1)
    my = col(lever, 2) * col(fl, 0) - col(lever, 0) * col(fl, 2)
    mz = col(lever, 0) * col(fl, 1) - col(lever, 1) * col(fl, 0)
    tau = aij - jnp.concatenate([mx, my, mz], axis=1)
    ft_ref[...] = jnp.concatenate(
        [fij, tau, jnp.zeros((TE, 2), f32)], axis=1)


def _run_main(a_pack, b_pack, g_pad, weights):
    f32 = jnp.float32
    n_tiles = N_EDGES // TE
    e_blocks = N_EDGES // TE

    def wspec(shape):
        return pl.BlockSpec(shape, lambda i: (0,) * len(shape))

    in_specs = [
        pl.BlockSpec((TE, 64), lambda i: (i, 0)),
        pl.BlockSpec((TE, 64), lambda i: (i, 0)),
        pl.BlockSpec((TE, LATENT), lambda i: (i, 0)),
        pl.BlockSpec((TE, LATENT), lambda i: (i + e_blocks, 0)),
    ] + [wspec(w.shape) for w in weights]

    out_shape = [
        jax.ShapeDtypeStruct((N_EDGES, LATENT), f32),
        jax.ShapeDtypeStruct((N_EDGES, 8), f32),
    ]
    out_specs = [
        pl.BlockSpec((TE, LATENT), lambda i: (i, 0)),
        pl.BlockSpec((TE, 8), lambda i: (i, 0)),
    ]
    return pl.pallas_call(
        _main_body,
        grid=(n_tiles,),
        in_specs=in_specs,
        out_specs=out_specs,
        out_shape=out_shape,
    )(a_pack, b_pack, g_pad, g_pad, *weights)


TN = 400


def _node_body(nl_ref, parts_ref, wn_ref, bn1_ref, wn2_ref, bn2_ref,
               dv_ref, dw_ref):
    f32 = jnp.float32
    nl = nl_ref[...]
    net = jnp.sum(parts_ref[...], axis=0)
    h = jnp.maximum(jnp.dot(nl, wn_ref[...], preferred_element_type=f32)
                    + bn1_ref[...], 0.0)
    y = jnp.dot(h, wn2_ref[...], preferred_element_type=f32) + bn2_ref[...]
    nf = net[:, 0:3]
    nt = net[:, 3:6]
    dv_ref[...] = y[:, 0:3] + y[:, 3:4] * nf
    dw_ref[...] = y[:, 4:5] * nt


def _run_node(node_latent, parts, wn, bn1, wn2, bn2):
    f32 = jnp.float32

    def wspec(shape):
        return pl.BlockSpec(shape, lambda i: (0,) * len(shape))

    return pl.pallas_call(
        _node_body,
        grid=(N_NODES // TN,),
        in_specs=[
            pl.BlockSpec((TN, LATENT), lambda i: (i, 0)),
            pl.BlockSpec((SC_NW, TN, 8), lambda i: (0, i, 0)),
            wspec(wn.shape), wspec(bn1.shape), wspec(wn2.shape),
            wspec(bn2.shape),
        ],
        out_specs=[
            pl.BlockSpec((TN, 3), lambda i: (i, 0)),
            pl.BlockSpec((TN, 3), lambda i: (i, 0)),
        ],
        out_shape=[
            jax.ShapeDtypeStruct((N_NODES, 3), f32),
            jax.ShapeDtypeStruct((N_NODES, 3), f32),
        ],
    )(node_latent, parts, wn, bn1, wn2, bn2)


def _assemble_edge_weights(params):
    f32 = jnp.float32
    w1n = params["nfe"]["w1"]
    mrep = jnp.repeat(w1n, 3, axis=0)
    w1e = params["efe"]["w1"]
    m = jnp.zeros((64, 392), f32)
    m = m.at[0:18, 0:128].set(mrep)
    m = m.at[18:36, 128:256].set(-mrep)
    m = m.at[42:58, 256:384].set(w1e[1:17])
    m = m.at[36:39, 384].set(1.0)

    def row(v):
        return v.reshape(1, -1)

    nfe, efe, ie = params["nfe"], params["efe"], params["ie"]
    i1, i2, fs = params["i1"], params["i2"], params["fs"]
    wcat = jnp.concatenate([i1["w1"], i2["w1"], fs["w1"]], axis=1)
    bcat = jnp.concatenate([i1["b1"], i2["b1"], fs["b1"]]).reshape(1, -1)
    wblk = jnp.zeros((384, 8), f32)
    wblk = wblk.at[0:128, 0:3].set(i1["w2"])
    wblk = wblk.at[128:256, 3:6].set(i2["w2"])
    wblk = wblk.at[256:384, 6:7].set(fs["w2"])
    bblk = jnp.zeros((1, 8), f32)
    bblk = bblk.at[0, 0:3].set(i1["b2"])
    bblk = bblk.at[0, 3:6].set(i2["b2"])
    bblk = bblk.at[0, 6].set(fs["b2"][0])

    return [
        m, row(nfe["b1"]), nfe["w2"], row(nfe["b2"]), row(nfe["g"]),
        row(nfe["b"]),
        row(w1e[0]), row(efe["b1"]), efe["w2"], row(efe["b2"]),
        row(efe["g"]), row(efe["b"]),
        ie["w1"], row(ie["b1"]), ie["w2"], row(ie["b2"]), row(ie["g"]),
        row(ie["b"]),
        wcat, bcat, wblk, bblk,
    ]


def _assemble_node_weights(params):
    f32 = jnp.float32
    edv, imd, iid = params["edv"], params["imd"], params["iid"]
    wn = jnp.concatenate([edv["w1"], imd["w1"], iid["w1"]], axis=1)
    bn1 = jnp.concatenate([edv["b1"], imd["b1"], iid["b1"]]).reshape(1, -1)
    wn2 = jnp.zeros((384, 8), f32)
    wn2 = wn2.at[0:128, 0:3].set(edv["w2"])
    wn2 = wn2.at[128:256, 3:4].set(imd["w2"])
    wn2 = wn2.at[256:384, 4:5].set(iid["w2"])
    bn2 = jnp.zeros((1, 8), f32)
    bn2 = bn2.at[0, 0:3].set(edv["b2"])
    bn2 = bn2.at[0, 3].set(imd["b2"][0])
    bn2 = bn2.at[0, 4].set(iid["b2"][0])
    return wn, bn1, wn2, bn2


def _pack_operands(edge_dx_, edge_attr, va, vb, vc, sv, sw, rv, rw, sp, rp):
    f32 = jnp.float32
    e = va.shape[0]
    zeros6 = jnp.zeros((e, 6), f32)
    ones16 = jnp.ones((e, 16), f32)
    a_pack = jnp.concatenate(
        [va, vb, vc, va, vb, vc, va, vb, vc, va, vb, vc,
         edge_dx_, sp, edge_attr, zeros6], axis=1)
    b_pack = jnp.concatenate(
        [sv, sv, sv, sw, sw, sw, rv, rv, rv, rw, rw, rw,
         edge_dx_, rp, ones16, zeros6], axis=1)
    return a_pack, b_pack


def kernel(edge_index, senders_pos, receivers_pos, edge_dx_, edge_attr,
           vector_a, vector_b, vector_c, senders_v_t_, senders_w_t_,
           receivers_v_t_, receivers_w_t_, node_latent, node_type,
           node_weights, node_vel, params):
    senders = edge_index[0]
    receivers = edge_index[1]

    idx_flat = jnp.concatenate(
        [senders, receivers,
         jnp.zeros((G_ROWS_PAD * 128 - 2 * N_EDGES,), jnp.int32)])
    idx2d = idx_flat.reshape(G_ROWS_PAD, 128)

    g_pad = _sc_gather(idx2d, node_latent)

    a_pack, b_pack = _pack_operands(
        edge_dx_, edge_attr, vector_a, vector_b, vector_c,
        senders_v_t_, senders_w_t_, receivers_v_t_, receivers_w_t_,
        senders_pos, receivers_pos)

    ew = _assemble_edge_weights(params)
    il, ft = _run_main(a_pack, b_pack, g_pad, ew)

    parts = _sc_scatter(receivers, ft.reshape(-1))
    parts3 = parts.reshape(SC_NW, N_NODES, 8)

    wn, bn1, wn2, bn2 = _assemble_node_weights(params)
    node_dv, node_dw = _run_node(node_latent, parts3, wn, bn1, wn2, bn2)

    return (node_dv, node_dw, il)

# --- scband reference (transcript-rebuilt; emitter-appended) ---
"""Pipeline reference for scband-interaction-block-68504728371701 (READ-ONLY COPY).

The authoritative reference and input builder live on the scoring server;
editing this copy changes nothing except your own understanding.
"""

import jax, jax.numpy as jnp
import numpy as np

N = 10000
E = 320000
LATENT = 128
EDGE_IN_F = 16
EPS = 1e-12


def _mlp_params(key, din, dh, dout, ln):
    k1, k2 = jax.random.split(key)
    p = {"w1": jax.random.normal(k1, (din, dh), dtype=jnp.float32) * 0.05,
         "b1": jnp.zeros((dh,), jnp.float32),
         "w2": jax.random.normal(k2, (dh, dout), dtype=jnp.float32) * 0.05,
         "b2": jnp.zeros((dout,), jnp.float32)}
    if ln:
        p["g"] = jnp.ones((dout,), jnp.float32)
        p["b"] = jnp.zeros((dout,), jnp.float32)
    return p


def _mlp(p, x):
    h = jax.nn.relu(x @ p["w1"] + p["b1"])
    y = h @ p["w2"] + p["b2"]
    if "g" in p:
        mu = y.mean(-1, keepdims=True)
        var = ((y - mu) ** 2).mean(-1, keepdims=True)
        y = (y - mu) / jnp.sqrt(var + 1e-5) * p["g"] + p["b"]
    return y


def setup_inputs(seed: int = 0):
    key = jax.random.key(seed)
    ks = [jax.random.fold_in(key, i) for i in range(40)]
    inp = {}
    inp["edge_index"] = jax.random.randint(ks[0], (2, E), 0, N, dtype=jnp.int32)
    inp["senders_pos"] = jax.random.normal(ks[1], (E, 3), jnp.float32)
    inp["receivers_pos"] = jax.random.normal(ks[2], (E, 3), jnp.float32)
    inp["edge_dx_"] = jax.random.normal(ks[3], (E, 3), jnp.float32)
    inp["edge_attr"] = jax.random.normal(ks[4], (E, EDGE_IN_F), jnp.float32)
    inp["vector_a"] = jax.random.normal(ks[5], (E, 3), jnp.float32)
    inp["vector_b"] = jax.random.normal(ks[6], (E, 3), jnp.float32)
    inp["vector_c"] = jax.random.normal(ks[7], (E, 3), jnp.float32)
    inp["senders_v_t_"] = jax.random.normal(ks[8], (E, 3), jnp.float32)
    inp["senders_w_t_"] = jax.random.normal(ks[9], (E, 3), jnp.float32)
    inp["receivers_v_t_"] = jax.random.normal(ks[10], (E, 3), jnp.float32)
    inp["receivers_w_t_"] = jax.random.normal(ks[11], (E, 3), jnp.float32)
    inp["node_latent"] = jax.random.normal(ks[12], (N, LATENT), jnp.float32)
    inp["node_type"] = jax.random.randint(ks[13], (N, 2), 0, 10, dtype=jnp.int32)
    inp["node_weights"] = jax.random.uniform(ks[14], (N, 1), jnp.float32)
    inp["node_vel"] = jax.random.normal(ks[15], (N, 3), jnp.float32)
    inp["params"] = {
        "nfe": _mlp_params(ks[20], 6, LATENT, LATENT, True),
        "efe": _mlp_params(ks[21], 1 + EDGE_IN_F, LATENT, LATENT, True),
        "ie": _mlp_params(ks[22], 3 * LATENT, LATENT, LATENT, True),
        "i1": _mlp_params(ks[23], LATENT, LATENT, 3, False),
        "i2": _mlp_params(ks[24], LATENT, LATENT, 3, False),
        "fs": _mlp_params(ks[25], LATENT, LATENT, 1, False),
        "edv": _mlp_params(ks[26], LATENT, LATENT, 3, False),
        "imd": _mlp_params(ks[27], LATENT, LATENT, 1, False),
        "iid": _mlp_params(ks[28], LATENT, LATENT, 1, False),
    }
    return inp


def _forward(edge_index, node_type, senders_pos, receivers_pos, edge_dx_, edge_attr, vector_a, vector_b, vector_c, senders_v_t_, senders_w_t_, receivers_v_t_, receivers_w_t_, node_latent, node_weights, node_vel, params):
    senders = edge_index[0]
    receivers = edge_index[1]
    num_nodes = node_type.shape[0]
    # InteractionEncoder
    basis = jnp.stack([vector_a, vector_b, vector_c], axis=1)
    def project(v):
        return jnp.einsum('eij,ej->ei', basis, v)
    s_feat = jnp.concatenate([project(senders_v_t_), project(senders_w_t_)], axis=1)
    r_feat = jnp.concatenate([-project(receivers_v_t_), -project(receivers_w_t_)], axis=1)
    edge_features = jnp.concatenate([jnp.linalg.norm(edge_dx_, axis=1, keepdims=True), edge_attr], axis=1)
    s_lat = _mlp(params['nfe'], s_feat)
    r_lat = _mlp(params['nfe'], r_feat)
    edge_latent = _mlp(params['efe'], edge_features)
    interaction_latent = _mlp(params['ie'], jnp.concatenate([s_lat + r_lat, node_latent[senders] + node_latent[receivers], edge_latent], axis=1))
    # masks
    is_global = node_type[:, -1] == -1
    is_virtual = edge_attr[:, 0] == -1.0
    mask_bg = is_virtual & is_global[receivers] & (~is_global[senders])
    mw = mask_bg.astype(jnp.float32)[:, None]
    # Node_External_Dv_Decoder
    dv_raw = _mlp(params['edv'], node_latent)
    m = jnp.maximum(node_weights[senders], EPS)
    M_g = jnp.maximum(jax.ops.segment_sum(m * mw, receivers, num_segments=num_nodes), EPS)
    dv_sum = jax.ops.segment_sum(dv_raw[senders] * m * mw, receivers, num_segments=num_nodes)
    dv_com = dv_sum / M_g
    dv_body = dv_raw[senders] + (dv_raw[receivers] - dv_com[receivers])
    dv_ext = dv_raw.at[senders].add(mw * (dv_body - dv_raw[senders]))
    # InteractionDecoder
    coeff_f = _mlp(params['i1'], interaction_latent)
    coeff_a = _mlp(params['i2'], interaction_latent)
    lam = _mlp(params['fs'], interaction_latent)
    fij = coeff_f[:, 0:1] * vector_a + coeff_f[:, 1:2] * vector_b + coeff_f[:, 2:3] * vector_c
    aij = coeff_a[:, 0:1] * vector_a + coeff_a[:, 1:2] * vector_b + coeff_a[:, 2:3] * vector_c
    def remove_group_mean(x):
        s = jax.ops.segment_sum(x * mw, receivers, num_segments=num_nodes)
        c = jax.ops.segment_sum(mw, receivers, num_segments=num_nodes)
        mean = s / jnp.maximum(c, 1.0)
        return x - mean[receivers] * mw
    fij = remove_group_mean(fij)
    aij = remove_group_mean(aij)
    lever = senders_pos - receivers_pos
    moment = jnp.cross(lever, fij * lam, axis=1)
    tauij = aij - moment
    # Node_Internal_Dv_Decoder
    inv_mass = _mlp(params['imd'], node_latent)
    inv_inertia = _mlp(params['iid'], node_latent)
    net_force = jax.ops.segment_sum(fij, receivers, num_segments=num_nodes)
    net_torque = jax.ops.segment_sum(tauij, receivers, num_segments=num_nodes)
    node_dv = inv_mass * net_force + dv_ext
    node_dw = inv_inertia * net_torque
    return (node_dv, node_dw, interaction_latent)


def reference(edge_index, senders_pos, receivers_pos, edge_dx_, edge_attr, vector_a, vector_b, vector_c, senders_v_t_, senders_w_t_, receivers_v_t_, receivers_w_t_, node_latent, node_type, node_weights, node_vel, params):
    return _forward(edge_index, node_type, senders_pos, receivers_pos, edge_dx_, edge_attr, vector_a, vector_b, vector_c, senders_v_t_, senders_w_t_, receivers_v_t_, receivers_w_t_, node_latent, node_weights, node_vel, params)

if __name__ == "__main__":
    import jax
    _d = setup_inputs()
    print(jax.jit(kernel)(*tuple(_d.values())))

</pallas_src>

<mosaic_0001>
#map = affine_map<(d0, d1) -> (0)>
module attributes {stable_mosaic.version = 14 : i64} {
  func.func @scatter_kernel(%arg0: i32, %arg1: i32, %arg2: memref<320000xi32, #tpu.memory_space<hbm>>, %arg3: memref<2560000xf32, #tpu.memory_space<hbm>>, %arg4: memref<2560000xf32, #tpu.memory_space<hbm>>, %arg5: memref<2000xi32, #tpu.memory_space<vmem>>, %arg6: memref<16000xf32, #tpu.memory_space<vmem>>, %arg7: memref<80000xf32, #tpu.memory_space<vmem>>) attributes {dimension_semantics = [#tpu.dimension_semantics<core_parallel>, #tpu.dimension_semantics<subcore_parallel>], iteration_bounds = array<i64: 2, 16>, scalar_prefetch = 0 : i64, scratch_operands = 3 : i64, tpu.core_type = #tpu.core_type<sc_vector_subcore>, window_params = [{transform_indices = #map}, {transform_indices = #map}, {transform_indices = #map}]} {
    %mul3A = arith.constant 2 : i32
    %mul3A_0 = arith.muli %arg1, %mul3A : i32
    %add3A = arith.addi %mul3A_0, %arg0 : i32
    %broadcast_in_dim3A = arith.constant 0.000000e+00 : f32
    %broadcast_in_dim3A_1 = vector.broadcast %broadcast_in_dim3A : f32 to vector<16xf32>
    %scan3A = arith.constant 0 : i32
    %scan3A_2 = arith.constant 0 : i32
    %scan3A_3 = arith.constant 5000 : i32
    %scan3A_4 = arith.addi %scan3A_2, %scan3A_3 : i32
    %scan3A_5 = arith.constant 1 : i32
    scf.for %scan3A_15 = %scan3A_2 to %scan3A_4 step %scan3A_5  : i32 {
      %mul3A_16 = arith.constant 16 : i32
      %mul3A_17 = arith.muli %scan3A_15, %mul3A_16 : i32
      %swap3A = arith.index_cast %mul3A_17 : i32 to index
      %swap3A_18 = tpu.vector_load %arg7[%swap3A] {strides = array<i32>} : memref<80000xf32, #tpu.memory_space<vmem>>, vector<16xf32>,
      tpu.vector_store %arg7[%swap3A], %broadcast_in_dim3A_1 {strides = array<i32>} : memref<80000xf32, #tpu.memory_space<vmem>>, vector<16xf32>,
    }
    %scan3A_6 = arith.constant 5000 : i32
    %scan3A_7 = arith.constant 0 : i32
    %scan3A_8 = arith.constant 0 : i32
    %scan3A_9 = arith.constant 5 : i32
    %scan3A_10 = arith.addi %scan3A_8, %scan3A_9 : i32
    %scan3A_11 = arith.constant 1 : i32
    scf.for %scan3A_15 = %scan3A_8 to %scan3A_10 step %scan3A_11  : i32 {
      %mul3A_16 = arith.constant 10000 : i32
      %mul3A_17 = arith.muli %add3A, %mul3A_16 : i32
      %mul3A_18 = arith.constant 2000 : i32
      %mul3A_19 = arith.muli %scan3A_15, %mul3A_18 : i32
      %add3A_20 = arith.addi %mul3A_17, %mul3A_19 : i32
      %multiple_of3A_21 = tpu.assume_multiple %add3A_20, 8 : i32
      "tpu.region"() ({
        %run_scoped3A = tpu.sem_alloc : memref<!tpu.dma_semaphore, #tpu.memory_space<semaphore_mem>>
        %dma_start3A = tpu.memref_slice %arg2[%multiple_of3A_21] : memref<320000xi32, #tpu.memory_space<hbm>> -> memref<2000xi32, #tpu.memory_space<hbm>>
        %dma_start3A_31 = tpu.memref_slice %arg2[%multiple_of3A_21] : memref<320000xi32, #tpu.memory_space<hbm>> -> memref<2000xi32, #tpu.memory_space<hbm>>
        tpu.enqueue_dma source(%dma_start3A_31 : memref<2000xi32, #tpu.memory_space<hbm>>) target(%arg5 : memref<2000xi32, #tpu.memory_space<vmem>>) target_semaphore(%run_scoped3A : memref<!tpu.dma_semaphore, #tpu.memory_space<semaphore_mem>>)
        %dma_wait3A = tpu.memref_slice %arg2[%multiple_of3A_21] : memref<320000xi32, #tpu.memory_space<hbm>> -> memref<2000xi32, #tpu.memory_space<hbm>>
        %dma_wait3A_32 = tpu.memref_slice %arg2[%multiple_of3A_21] : memref<320000xi32, #tpu.memory_space<hbm>> -> memref<2000xi32, #tpu.memory_space<hbm>>
        tpu.wait_dma2 semaphore(%run_scoped3A : memref<!tpu.dma_semaphore, #tpu.memory_space<semaphore_mem>>) src(%dma_wait3A_32 : memref<2000xi32, #tpu.memory_space<hbm>>) dst(%arg5 : memref<2000xi32, #tpu.memory_space<vmem>>)
        tpu.yield
      }) : () -> ()
      %mul3A_22 = arith.constant 8 : i32
      %mul3A_23 = arith.muli %multiple_of3A_21, %mul3A_22 : i32
      %multiple_of3A_24 = tpu.assume_multiple %mul3A_23, 8 : i32
      "tpu.region"() ({
        %run_scoped3A = tpu.sem_alloc : memref<!tpu.dma_semaphore, #tpu.memory_space<semaphore_mem>>
        %dma_start3A = tpu.memref_slice %arg3[%multiple_of3A_24] : memref<2560000xf32, #tpu.memory_space<hbm>> -> memref<16000xf32, #tpu.memory_space<hbm>>
        %dma_start3A_31 = tpu.memref_slice %arg3[%multiple_of3A_24] : memref<2560000xf32, #tpu.memory_space<hbm>> -> memref<16000xf32, #tpu.memory_space<hbm>>
        tpu.enqueue_dma source(%dma_start3A_31 : memref<16000xf32, #tpu.memory_space<hbm>>) target(%arg6 : memref<16000xf32, #tpu.memory_space<vmem>>) target_semaphore(%run_scoped3A : memref<!tpu.dma_semaphore, #tpu.memory_space<semaphore_mem>>)
        %dma_wait3A = tpu.memref_slice %arg3[%multiple_of3A_24] : memref<2560000xf32, #tpu.memory_space<hbm>> -> memref<16000xf32, #tpu.memory_space<hbm>>
        %dma_wait3A_32 = tpu.memref_slice %arg3[%multiple_of3A_24] : memref<2560000xf32, #tpu.memory_space<hbm>> -> memref<16000xf32, #tpu.memory_space<hbm>>
        tpu.wait_dma2 semaphore(%run_scoped3A : memref<!tpu.dma_semaphore, #tpu.memory_space<semaphore_mem>>) src(%dma_wait3A_32 : memref<16000xf32, #tpu.memory_space<hbm>>) dst(%arg6 : memref<16000xf32, #tpu.memory_space<vmem>>)
        tpu.yield
      }) : () -> ()
      %iota3A = tpu.iota {dimensions = array<i32: 0>} : vector<16xi32>
      %scan3A_25 = arith.constant 0 : i32
      %scan3A_26 = arith.constant 0 : i32
      %scan3A_27 = arith.constant 125 : i32
      %scan3A_28 = arith.addi %scan3A_26, %scan3A_27 : i32
      %scan3A_29 = arith.constant 1 : i32
      scf.for %scan3A_31 = %scan3A_26 to %scan3A_28 step %scan3A_29  : i32 {
        %mul3A_32 = arith.constant 16 : i32
        %mul3A_33 = arith.muli %scan3A_31, %mul3A_32 : i32
        %add3A_34 = vector.broadcast %mul3A_33 : i32 to vector<16xi32>
        %add3A_35 = arith.addi %add3A_34, %iota3A : vector<16xi32>
        %mul3A_36 = arith.constant 8 : i32
        %mul3A_37 = vector.broadcast %mul3A_36 : i32 to vector<16xi32>
        %mul3A_38 = arith.muli %add3A_35, %mul3A_37 : vector<16xi32>
        %mul3A_39 = arith.constant 16 : i32
        %mul3A_40 = arith.muli %scan3A_31, %mul3A_39 : i32
        %get3A = arith.index_cast %mul3A_40 : i32 to index
        %get3A_41 = tpu.vector_load %arg5[%get3A] {strides = array<i32>} : memref<2000xi32, #tpu.memory_space<vmem>>, vector<16xi32>,
        %mul3A_42 = arith.constant 8 : i32
        %mul3A_43 = vector.broadcast %mul3A_42 : i32 to vector<16xi32>
        %mul3A_44 = arith.muli %get3A_41, %mul3A_43 : vector<16xi32>
        %add3A_45 = arith.constant 0 : i32
        %add3A_46 = vector.broadcast %add3A_45 : i32 to vector<16xi32>
        %add3A_47 = arith.addi %mul3A_38, %add3A_46 : vector<16xi32>
        %gather3A = tpu.vector_load_idx %arg6[%add3A_47] : memref<16000xf32, #tpu.memory_space<vmem>>[vector<16xi32>], vector<16xf32>,
        %add3A_48 = arith.constant 0 : i32
        %add3A_49 = vector.broadcast %add3A_48 : i32 to vector<16xi32>
        %add3A_50 = arith.addi %mul3A_44, %add3A_49 : vector<16xi32>
        tpu.vector_store_idx %arg7[%add3A_50], %gather3A {add = true} : memref<80000xf32, #tpu.memory_space<vmem>>[vector<16xi32>], vector<16xf32>,
        %add3A_51 = arith.constant 1 : i32
        %add3A_52 = vector.broadcast %add3A_51 : i32 to vector<16xi32>
        %add3A_53 = arith.addi %mul3A_38, %add3A_52 : vector<16xi32>
        %gather3A_54 = tpu.vector_load_idx %arg6[%add3A_53] : memref<16000xf32, #tpu.memory_space<vmem>>[vector<16xi32>], vector<16xf32>,
        %add3A_55 = arith.constant 1 : i32
        %add3A_56 = vector.broadcast %add3A_55 : i32 to vector<16xi32>
        %add3A_57 = arith.addi %mul3A_44, %add3A_56 : vector<16xi32>
        tpu.vector_store_idx %arg7[%add3A_57], %gather3A_54 {add = true} : memref<80000xf32, #tpu.memory_space<vmem>>[vector<16xi32>], vector<16xf32>,
        %add3A_58 = arith.constant 2 : i32
        %add3A_59 = vector.broadcast %add3A_58 : i32 to vector<16xi32>
        %add3A_60 = arith.addi %mul3A_38, %add3A_59 : vector<16xi32>
        %gather3A_61 = tpu.vector_load_idx %arg6[%add3A_60] : memref<16000xf32, #tpu.memory_space<vmem>>[vector<16xi32>], vector<16xf32>,
        %add3A_62 = arith.constant 2 : i32
        %add3A_63 = vector.broadcast %add3A_62 : i32 to vector<16xi32>
        %add3A_64 = arith.addi %mul3A_44, %add3A_63 : vector<16xi32>
        tpu.vector_store_idx %arg7[%add3A_64], %gather3A_61 {add = true} : memref<80000xf32, #tpu.memory_space<vmem>>[vector<16xi32>], vector<16xf32>,
        %add3A_65 = arith.constant 3 : i32
        %add3A_66 = vector.broadcast %add3A_65 : i32 to vector<16xi32>
        %add3A_67 = arith.addi %mul3A_38, %add3A_66 : vector<16xi32>
        %gather3A_68 = tpu.vector_load_idx %arg6[%add3A_67] : memref<16000xf32, #tpu.memory_space<vmem>>[vector<16xi32>], vector<16xf32>,
        %add3A_69 = arith.constant 3 : i32
        %add3A_70 = vector.broadcast %add3A_69 : i32 to vector<16xi32>
        %add3A_71 = arith.addi %mul3A_44, %add3A_70 : vector<16xi32>
        tpu.vector_store_idx %arg7[%add3A_71], %gather3A_68 {add = true} : memref<80000xf32, #tpu.memory_space<vmem>>[vector<16xi32>], vector<16xf32>,
        %add3A_72 = arith.constant 4 : i32
        %add3A_73 = vector.broadcast %add3A_72 : i32 to vector<16xi32>
        %add3A_74 = arith.addi %mul3A_38, %add3A_73 : vector<16xi32>
        %gather3A_75 = tpu.vector_load_idx %arg6[%add3A_74] : memref<16000xf32, #tpu.memory_space<vmem>>[vector<16xi32>], vector<16xf32>,
        %add3A_76 = arith.constant 4 : i32
        %add3A_77 = vector.broadcast %add3A_76 : i32 to vector<16xi32>
        %add3A_78 = arith.addi %mul3A_44, %add3A_77 : vector<16xi32>
        tpu.vector_store_idx %arg7[%add3A_78], %gather3A_75 {add = true} : memref<80000xf32, #tpu.memory_space<vmem>>[vector<16xi32>], vector<16xf32>,
        %add3A_79 = arith.constant 5 : i32
        %add3A_80 = vector.broadcast %add3A_79 : i32 to vector<16xi32>
        %add3A_81 = arith.addi %mul3A_38, %add3A_80 : vector<16xi32>
        %gather3A_82 = tpu.vector_load_idx %arg6[%add3A_81] : memref<16000xf32, #tpu.memory_space<vmem>>[vector<16xi32>], vector<16xf32>,
        %add3A_83 = arith.constant 5 : i32
        %add3A_84 = vector.broadcast %add3A_83 : i32 to vector<16xi32>
        %add3A_85 = arith.addi %mul3A_44, %add3A_84 : vector<16xi32>
        tpu.vector_store_idx %arg7[%add3A_85], %gather3A_82 {add = true} : memref<80000xf32, #tpu.memory_space<vmem>>[vector<16xi32>], vector<16xf32>,
      }
      %scan3A_30 = arith.constant 125 : i32
    }
    %scan3A_12 = arith.constant 5 : i32
    %mul3A_13 = arith.constant 80000 : i32
    %mul3A_14 = arith.muli %add3A, %mul3A_13 : i32
    %multiple_of3A = tpu.assume_multiple %mul3A_14, 8 : i32
    "tpu.region"() ({
      %run_scoped3A = tpu.sem_alloc : memref<!tpu.dma_semaphore, #tpu.memory_space<semaphore_mem>>
      %dma_start3A = tpu.memref_slice %arg4[%multiple_of3A] : memref<2560000xf32, #tpu.memory_space<hbm>> -> memref<80000xf32, #tpu.memory_space<hbm>>
      %dma_start3A_15 = tpu.memref_slice %arg4[%multiple_of3A] : memref<2560000xf32, #tpu.memory_space<hbm>> -> memref<80000xf32, #tpu.memory_space<hbm>>
      tpu.enqueue_dma source(%arg7 : memref<80000xf32, #tpu.memory_space<vmem>>) target(%dma_start3A_15 : memref<80000xf32, #tpu.memory_space<hbm>>) target_semaphore(%run_scoped3A : memref<!tpu.dma_semaphore, #tpu.memory_space<semaphore_mem>>)
      %dma_wait3A = tpu.memref_slice %arg4[%multiple_of3A] : memref<2560000xf32, #tpu.memory_space<hbm>> -> memref<80000xf32, #tpu.memory_space<hbm>>
      %dma_wait3A_16 = tpu.memref_slice %arg4[%multiple_of3A] : memref<2560000xf32, #tpu.memory_space<hbm>> -> memref<80000xf32, #tpu.memory_space<hbm>>
      tpu.wait_dma2 semaphore(%run_scoped3A : memref<!tpu.dma_semaphore, #tpu.memory_space<semaphore_mem>>) src(%arg7 : memref<80000xf32, #tpu.memory_space<vmem>>) dst(%dma_wait3A_16 : memref<80000xf32, #tpu.memory_space<hbm>>)
      tpu.yield
    }) : () -> ()
    return
  }
}

#map = affine_map<(d0, d1) -> (0, 0)>
module attributes {stable_mosaic.version = 14 : i64} {
  func.func @gather_kernel(%arg0: i32, %arg1: i32, %arg2: memref<5376x128xi32, #tpu.memory_space<hbm>>, %arg3: memref<10000x128xf32, #tpu.memory_space<hbm>>, %arg4: memref<688128x128xf32, #tpu.memory_space<hbm>>, %arg5: memref<8x128xi32, #tpu.memory_space<vmem>>, %arg6: memref<512x128xf32, #tpu.memory_space<vmem>>, %arg7: memref<!tpu.dma_semaphore, #tpu.memory_space<semaphore_mem>>) attributes {dimension_semantics = [#tpu.dimension_semantics<core_parallel>, #tpu.dimension_semantics<subcore_parallel>], iteration_bounds = array<i64: 2, 16>, scalar_prefetch = 0 : i64, scratch_operands = 3 : i64, tpu.core_type = #tpu.core_type<sc_vector_subcore>, window_params = [{transform_indices = #map}, {transform_indices = #map}, {transform_indices = #map}]} {
    %mul3A = arith.constant 2 : i32
    %mul3A_0 = arith.muli %arg1, %mul3A : i32
    %add3A = arith.addi %mul3A_0, %arg0 : i32
    %mul3A_1 = arith.constant 168 : i32
    %mul3A_2 = arith.muli %add3A, %mul3A_1 : i32
    %scan3A = arith.constant 0 : i32
    %scan3A_3 = arith.constant 0 : i32
    %scan3A_4 = arith.constant 21 : i32
    %scan3A_5 = arith.addi %scan3A_3, %scan3A_4 : i32
    %scan3A_6 = arith.constant 1 : i32
    scf.for %scan3A_8 = %scan3A_3 to %scan3A_5 step %scan3A_6  : i32 {
      %mul3A_9 = arith.constant 8 : i32
      %mul3A_10 = arith.muli %scan3A_8, %mul3A_9 : i32
      %add3A_11 = arith.addi %mul3A_2, %mul3A_10 : i32
      "tpu.region"() ({
        %run_scoped3A = tpu.sem_alloc : memref<!tpu.dma_semaphore, #tpu.memory_space<semaphore_mem>>
        %dma_start3A_179 = arith.constant 0 : i32
        %dma_start3A_180 = tpu.memref_slice %arg2[%add3A_11, %dma_start3A_179] : memref<5376x128xi32, #tpu.memory_space<hbm>> -> memref<8x128xi32, #tpu.memory_space<hbm>>
        %dma_start3A_181 = arith.constant 0 : i32
        %dma_start3A_182 = tpu.memref_slice %arg2[%add3A_11, %dma_start3A_181] : memref<5376x128xi32, #tpu.memory_space<hbm>> -> memref<8x128xi32, #tpu.memory_space<hbm>>
        tpu.enqueue_dma source(%dma_start3A_182 : memref<8x128xi32, #tpu.memory_space<hbm>>) target(%arg5 : memref<8x128xi32, #tpu.memory_space<vmem>>) target_semaphore(%run_scoped3A : memref<!tpu.dma_semaphore, #tpu.memory_space<semaphore_mem>>)
        %dma_wait3A_183 = arith.constant 0 : i32
        %dma_wait3A_184 = tpu.memref_slice %arg2[%add3A_11, %dma_wait3A_183] : memref<5376x128xi32, #tpu.memory_space<hbm>> -> memref<8x128xi32, #tpu.memory_space<hbm>>
        %dma_wait3A_185 = arith.constant 0 : i32
        %dma_wait3A_186 = tpu.memref_slice %arg2[%add3A_11, %dma_wait3A_185] : memref<5376x128xi32, #tpu.memory_space<hbm>> -> memref<8x128xi32, #tpu.memory_space<hbm>>
        tpu.wait_dma2 semaphore(%run_scoped3A : memref<!tpu.dma_semaphore, #tpu.memory_space<semaphore_mem>>) src(%dma_wait3A_186 : memref<8x128xi32, #tpu.memory_space<hbm>>) dst(%arg5 : memref<8x128xi32, #tpu.memory_space<vmem>>)
        tpu.yield
      }) : () -> ()
      %dma_start3A = arith.constant 0 : i32
      %dma_start3A_12 = arith.constant 0 : i32
      %dma_start3A_13 = arith.constant 0 : i32
      %dma_start3A_14 = tpu.memref_slice %arg6[%dma_start3A_12, %dma_start3A_13] : memref<512x128xf32, #tpu.memory_space<vmem>> -> memref<128x128xf32, #tpu.memory_space<vmem>>
      %dma_start3A_15 = arith.constant 0 : i32
      %dma_start3A_16 = tpu.memref_slice %arg5[%dma_start3A, %dma_start3A_15] : memref<8x128xi32, #tpu.memory_space<vmem>> -> memref<1x128xi32, #tpu.memory_space<vmem>>
      %dma_start3A_17 = tpu.memref_squeeze %dma_start3A_16 : memref<1x128xi32, #tpu.memory_space<vmem>> -> memref<128xi32, #tpu.memory_space<vmem>>
      %dma_start3A_18 = arith.constant 0 : i32
      %dma_start3A_19 = arith.constant 0 : i32
      %dma_start3A_20 = tpu.memref_slice %arg3[%dma_start3A_18, %dma_start3A_19] : memref<10000x128xf32, #tpu.memory_space<hbm>> -> memref<10000x128xf32, #tpu.memory_space<hbm>>
      tpu.enqueue_indirect_dma source(%dma_start3A_20 : memref<10000x128xf32, #tpu.memory_space<hbm>>) target(%dma_start3A_14 : memref<128x128xf32, #tpu.memory_space<vmem>>) offsets(%dma_start3A_17 : memref<128xi32, #tpu.memory_space<vmem>>) semaphore(%arg7 : memref<!tpu.dma_semaphore, #tpu.memory_space<semaphore_mem>>)
      %dma_start3A_21 = arith.constant 1 : i32
      %dma_start3A_22 = arith.constant 128 : i32
      %dma_start3A_23 = arith.constant 0 : i32
      %dma_start3A_24 = tpu.memref_slice %arg6[%dma_start3A_22, %dma_start3A_23] : memref<512x128xf32, #tpu.memory_space<vmem>> -> memref<128x128xf32, #tpu.memory_space<vmem>>
      %dma_start3A_25 = arith.constant 0 : i32
      %dma_start3A_26 = tpu.memref_slice %arg5[%dma_start3A_21, %dma_start3A_25] : memref<8x128xi32, #tpu.memory_space<vmem>> -> memref<1x128xi32, #tpu.memory_space<vmem>>
      %dma_start3A_27 = tpu.memref_squeeze %dma_start3A_26 : memref<1x128xi32, #tpu.memory_space<vmem>> -> memref<128xi32, #tpu.memory_space<vmem>>
      %dma_start3A_28 = arith.constant 0 : i32
      %dma_start3A_29 = arith.constant 0 : i32
      %dma_start3A_30 = tpu.memref_slice %arg3[%dma_start3A_28, %dma_start3A_29] : memref<10000x128xf32, #tpu.memory_space<hbm>> -> memref<10000x128xf32, #tpu.memory_space<hbm>>
      tpu.enqueue_indirect_dma source(%dma_start3A_30 : memref<10000x128xf32, #tpu.memory_space<hbm>>) target(%dma_start3A_24 : memref<128x128xf32, #tpu.memory_space<vmem>>) offsets(%dma_start3A_27 : memref<128xi32, #tpu.memory_space<vmem>>) semaphore(%arg7 : memref<!tpu.dma_semaphore, #tpu.memory_space<semaphore_mem>>)
      %dma_start3A_31 = arith.constant 2 : i32
      %dma_start3A_32 = arith.constant 256 : i32
      %dma_start3A_33 = arith.constant 0 : i32
      %dma_start3A_34 = tpu.memref_slice %arg6[%dma_start3A_32, %dma_start3A_33] : memref<512x128xf32, #tpu.memory_space<vmem>> -> memref<128x128xf32, #tpu.memory_space<vmem>>
      %dma_start3A_35 = arith.constant 0 : i32
      %dma_start3A_36 = tpu.memref_slice %arg5[%dma_start3A_31, %dma_start3A_35] : memref<8x128xi32, #tpu.memory_space<vmem>> -> memref<1x128xi32, #tpu.memory_space<vmem>>
      %dma_start3A_37 = tpu.memref_squeeze %dma_start3A_36 : memref<1x128xi32, #tpu.memory_space<vmem>> -> memref<128xi32, #tpu.memory_space<vmem>>
      %dma_start3A_38 = arith.constant 0 : i32
      %dma_start3A_39 = arith.constant 0 : i32
      %dma_start3A_40 = tpu.memref_slice %arg3[%dma_start3A_38, %dma_start3A_39] : memref<10000x128xf32, #tpu.memory_space<hbm>> -> memref<10000x128xf32, #tpu.memory_space<hbm>>
      tpu.enqueue_indirect_dma source(%dma_start3A_40 : memref<10000x128xf32, #tpu.memory_space<hbm>>) target(%dma_start3A_34 : memref<128x128xf32, #tpu.memory_space<vmem>>) offsets(%dma_start3A_37 : memref<128xi32, #tpu.memory_space<vmem>>) semaphore(%arg7 : memref<!tpu.dma_semaphore, #tpu.memory_space<semaphore_mem>>)
      %dma_start3A_41 = arith.constant 3 : i32
      %dma_start3A_42 = arith.constant 384 : i32
      %dma_start3A_43 = arith.constant 0 : i32
      %dma_start3A_44 = tpu.memref_slice %arg6[%dma_start3A_42, %dma_start3A_43] : memref<512x128xf32, #tpu.memory_space<vmem>> -> memref<128x128xf32, #tpu.memory_space<vmem>>
      %dma_start3A_45 = arith.constant 0 : i32
      %dma_start3A_46 = tpu.memref_slice %arg5[%dma_start3A_41, %dma_start3A_45] : memref<8x128xi32, #tpu.memory_space<vmem>> -> memref<1x128xi32, #tpu.memory_space<vmem>>
      %dma_start3A_47 = tpu.memref_squeeze %dma_start3A_46 : memref<1x128xi32, #tpu.memory_space<vmem>> -> memref<128xi32, #tpu.memory_space<vmem>>
      %dma_start3A_48 = arith.constant 0 : i32
      %dma_start3A_49 = arith.constant 0 : i32
      %dma_start3A_50 = tpu.memref_slice %arg3[%dma_start3A_48, %dma_start3A_49] : memref<10000x128xf32, #tpu.memory_space<hbm>> -> memref<10000x128xf32, #tpu.memory_space<hbm>>
      tpu.enqueue_indirect_dma source(%dma_start3A_50 : memref<10000x128xf32, #tpu.memory_space<hbm>>) target(%dma_start3A_44 : memref<128x128xf32, #tpu.memory_space<vmem>>) offsets(%dma_start3A_47 : memref<128xi32, #tpu.memory_space<vmem>>) semaphore(%arg7 : memref<!tpu.dma_semaphore, #tpu.memory_space<semaphore_mem>>)
      %dma_wait3A = arith.constant 0 : i32
      %dma_wait3A_51 = arith.constant 0 : i32
      %dma_wait3A_52 = arith.constant 0 : i32
      %dma_wait3A_53 = tpu.memref_slice %arg6[%dma_wait3A_51, %dma_wait3A_52] : memref<512x128xf32, #tpu.memory_space<vmem>> -> memref<128x128xf32, #tpu.memory_space<vmem>>
      %dma_wait3A_54 = arith.constant 0 : i32
      %dma_wait3A_55 = tpu.memref_slice %arg5[%dma_wait3A, %dma_wait3A_54] : memref<8x128xi32, #tpu.memory_space<vmem>> -> memref<1x128xi32, #tpu.memory_space<vmem>>
      %dma_wait3A_56 = tpu.memref_squeeze %dma_wait3A_55 : memref<1x128xi32, #tpu.memory_space<vmem>> -> memref<128xi32, #tpu.memory_space<vmem>>
      %dma_wait3A_57 = arith.constant 0 : i32
      %dma_wait3A_58 = arith.constant 0 : i32
      %dma_wait3A_59 = tpu.memref_slice %arg3[%dma_wait3A_57, %dma_wait3A_58] : memref<10000x128xf32, #tpu.memory_space<hbm>> -> memref<10000x128xf32, #tpu.memory_space<hbm>>
      tpu.wait_indirect_dma semaphore(%arg7 : memref<!tpu.dma_semaphore, #tpu.memory_space<semaphore_mem>>) src(%dma_wait3A_59 : memref<10000x128xf32, #tpu.memory_space<hbm>>) dst(%dma_wait3A_53 : memref<128x128xf32, #tpu.memory_space<vmem>>)
      %dma_wait3A_60 = arith.constant 1 : i32
      %dma_wait3A_61 = arith.constant 128 : i32
      %dma_wait3A_62 = arith.constant 0 : i32
      %dma_wait3A_63 = tpu.memref_slice %arg6[%dma_wait3A_61, %dma_wait3A_62] : memref<512x128xf32, #tpu.memory_space<vmem>> -> memref<128x128xf32, #tpu.memory_space<vmem>>
      %dma_wait3A_64 = arith.constant 0 : i32
      %dma_wait3A_65 = tpu.memref_slice %arg5[%dma_wait3A_60, %dma_wait3A_64] : memref<8x128xi32, #tpu.memory_space<vmem>> -> memref<1x128xi32, #tpu.memory_space<vmem>>
      %dma_wait3A_66 = tpu.memref_squeeze %dma_wait3A_65 : memref<1x128xi32, #tpu.memory_space<vmem>> -> memref<128xi32, #tpu.memory_space<vmem>>
      %dma_wait3A_67 = arith.constant 0 : i32
      %dma_wait3A_68 = arith.constant 0 : i32
      %dma_wait3A_69 = tpu.memref_slice %arg3[%dma_wait3A_67, %dma_wait3A_68] : memref<10000x128xf32, #tpu.memory_space<hbm>> -> memref<10000x128xf32, #tpu.memory_space<hbm>>
      tpu.wait_indirect_dma semaphore(%arg7 : memref<!tpu.dma_semaphore, #tpu.memory_space<semaphore_mem>>) src(%dma_wait3A_69 : memref<10000x128xf32, #tpu.memory_space<hbm>>) dst(%dma_wait3A_63 : memref<128x128xf32, #tpu.memory_space<vmem>>)
      %dma_wait3A_70 = arith.constant 2 : i32
      %dma_wait3A_71 = arith.constant 256 : i32
      %dma_wait3A_72 = arith.constant 0 : i32
      %dma_wait3A_73 = tpu.memref_slice %arg6[%dma_wait3A_71, %dma_wait3A_72] : memref<512x128xf32, #tpu.memory_space<vmem>> -> memref<128x128xf32, #tpu.memory_space<vmem>>
      %dma_wait3A_74 = arith.constant 0 : i32
      %dma_wait3A_75 = tpu.memref_slice %arg5[%dma_wait3A_70, %dma_wait3A_74] : memref<8x128xi32, #tpu.memory_space<vmem>> -> memref<1x128xi32, #tpu.memory_space<vmem>>
      %dma_wait3A_76 = tpu.memref_squeeze %dma_wait3A_75 : memref<1x128xi32, #tpu.memory_space<vmem>> -> memref<128xi32, #tpu.memory_space<vmem>>
      %dma_wait3A_77 = arith.constant 0 : i32
      %dma_wait3A_78 = arith.constant 0 : i32
      %dma_wait3A_79 = tpu.memref_slice %arg3[%dma_wait3A_77, %dma_wait3A_78] : memref<10000x128xf32, #tpu.memory_space<hbm>> -> memref<10000x128xf32, #tpu.memory_space<hbm>>
      tpu.wait_indirect_dma semaphore(%arg7 : memref<!tpu.dma_semaphore, #tpu.memory_space<semaphore_mem>>) src(%dma_wait3A_79 : memref<10000x128xf32, #tpu.memory_space<hbm>>) dst(%dma_wait3A_73 : memref<128x128xf32, #tpu.memory_space<vmem>>)
      %dma_wait3A_80 = arith.constant 3 : i32
      %dma_wait3A_81 = arith.constant 384 : i32
      %dma_wait3A_82 = arith.constant 0 : i32
      %dma_wait3A_83 = tpu.memref_slice %arg6[%dma_wait3A_81, %dma_wait3A_82] : memref<512x128xf32, #tpu.memory_space<vmem>> -> memref<128x128xf32, #tpu.memory_space<vmem>>
      %dma_wait3A_84 = arith.constant 0 : i32
      %dma_wait3A_85 = tpu.memref_slice %arg5[%dma_wait3A_80, %dma_wait3A_84] : memref<8x128xi32, #tpu.memory_space<vmem>> -> memref<1x128xi32, #tpu.memory_space<vmem>>
      %dma_wait3A_86 = tpu.memref_squeeze %dma_wait3A_85 : memref<1x128xi32, #tpu.memory_space<vmem>> -> memref<128xi32, #tpu.memory_space<vmem>>
      %dma_wait3A_87 = arith.constant 0 : i32
      %dma_wait3A_88 = arith.constant 0 : i32
      %dma_wait3A_89 = tpu.memref_slice %arg3[%dma_wait3A_87, %dma_wait3A_88] : memref<10000x128xf32, #tpu.memory_space<hbm>> -> memref<10000x128xf32, #tpu.memory_space<hbm>>
      tpu.wait_indirect_dma semaphore(%arg7 : memref<!tpu.dma_semaphore, #tpu.memory_space<semaphore_mem>>) src(%dma_wait3A_89 : memref<10000x128xf32, #tpu.memory_space<hbm>>) dst(%dma_wait3A_83 : memref<128x128xf32, #tpu.memory_space<vmem>>)
      %add3A_90 = arith.constant 0 : i32
      %add3A_91 = arith.addi %add3A_11, %add3A_90 : i32
      %mul3A_92 = arith.constant 128 : i32
      %mul3A_93 = arith.muli %add3A_91, %mul3A_92 : i32
      %multiple_of3A = tpu.assume_multiple %mul3A_93, 128 : i32
      "tpu.region"() ({
        %run_scoped3A = tpu.sem_alloc : memref<!tpu.dma_semaphore, #tpu.memory_space<semaphore_mem>>
        %dma_start3A_179 = arith.constant 0 : i32
        %dma_start3A_180 = tpu.memref_slice %arg4[%multiple_of3A, %dma_start3A_179] : memref<688128x128xf32, #tpu.memory_space<hbm>> -> memref<512x128xf32, #tpu.memory_space<hbm>>
        %dma_start3A_181 = arith.constant 0 : i32
        %dma_start3A_182 = tpu.memref_slice %arg4[%multiple_of3A, %dma_start3A_181] : memref<688128x128xf32, #tpu.memory_space<hbm>> -> memref<512x128xf32, #tpu.memory_space<hbm>>
        tpu.enqueue_dma source(%arg6 : memref<512x128xf32, #tpu.memory_space<vmem>>) target(%dma_start3A_182 : memref<512x128xf32, #tpu.memory_space<hbm>>) target_semaphore(%run_scoped3A : memref<!tpu.dma_semaphore, #tpu.memory_space<semaphore_mem>>)
        %dma_wait3A_183 = arith.constant 0 : i32
        %dma_wait3A_184 = tpu.memref_slice %arg4[%multiple_of3A, %dma_wait3A_183] : memref<688128x128xf32, #tpu.memory_space<hbm>> -> memref<512x128xf32, #tpu.memory_space<hbm>>
        %dma_wait3A_185 = arith.constant 0 : i32
        %dma_wait3A_186 = tpu.memref_slice %arg4[%multiple_of3A, %dma_wait3A_185] : memref<688128x128xf32, #tpu.memory_space<hbm>> -> memref<512x128xf32, #tpu.memory_space<hbm>>
        tpu.wait_dma2 semaphore(%run_scoped3A : memref<!tpu.dma_semaphore, #tpu.memory_space<semaphore_mem>>) src(%arg6 : memref<512x128xf32, #tpu.memory_space<vmem>>) dst(%dma_wait3A_186 : memref<512x128xf32, #tpu.memory_space<hbm>>)
        tpu.yield
      }) : () -> ()
      %dma_start3A_94 = arith.constant 4 : i32
      %dma_start3A_95 = arith.constant 0 : i32
      %dma_start3A_96 = arith.constant 0 : i32
      %dma_start3A_97 = tpu.memref_slice %arg6[%dma_start3A_95, %dma_start3A_96] : memref<512x128xf32, #tpu.memory_space<vmem>> -> memref<128x128xf32, #tpu.memory_space<vmem>>
      %dma_start3A_98 = arith.constant 0 : i32
      %dma_start3A_99 = tpu.memref_slice %arg5[%dma_start3A_94, %dma_start3A_98] : memref<8x128xi32, #tpu.memory_space<vmem>> -> memref<1x128xi32, #tpu.memory_space<vmem>>
      %dma_start3A_100 = tpu.memref_squeeze %dma_start3A_99 : memref<1x128xi32, #tpu.memory_space<vmem>> -> memref<128xi32, #tpu.memory_space<vmem>>
      %dma_start3A_101 = arith.constant 0 : i32
      %dma_start3A_102 = arith.constant 0 : i32
      %dma_start3A_103 = tpu.memref_slice %arg3[%dma_start3A_101, %dma_start3A_102] : memref<10000x128xf32, #tpu.memory_space<hbm>> -> memref<10000x128xf32, #tpu.memory_space<hbm>>
      tpu.enqueue_indirect_dma source(%dma_start3A_103 : memref<10000x128xf32, #tpu.memory_space<hbm>>) target(%dma_start3A_97 : memref<128x128xf32, #tpu.memory_space<vmem>>) offsets(%dma_start3A_100 : memref<128xi32, #tpu.memory_space<vmem>>) semaphore(%arg7 : memref<!tpu.dma_semaphore, #tpu.memory_space<semaphore_mem>>)
      %dma_start3A_104 = arith.constant 5 : i32
      %dma_start3A_105 = arith.constant 128 : i32
      %dma_start3A_106 = arith.constant 0 : i32
      %dma_start3A_107 = tpu.memref_slice %arg6[%dma_start3A_105, %dma_start3A_106] : memref<512x128xf32, #tpu.memory_space<vmem>> -> memref<128x128xf32, #tpu.memory_space<vmem>>
      %dma_start3A_108 = arith.constant 0 : i32
      %dma_start3A_109 = tpu.memref_slice %arg5[%dma_start3A_104, %dma_start3A_108] : memref<8x128xi32, #tpu.memory_space<vmem>> -> memref<1x128xi32, #tpu.memory_space<vmem>>
      %dma_start3A_110 = tpu.memref_squeeze %dma_start3A_109 : memref<1x128xi32, #tpu.memory_space<vmem>> -> memref<128xi32, #tpu.memory_space<vmem>>
      %dma_start3A_111 = arith.constant 0 : i32
      %dma_start3A_112 = arith.constant 0 : i32
      %dma_start3A_113 = tpu.memref_slice %arg3[%dma_start3A_111, %dma_start3A_112] : memref<10000x128xf32, #tpu.memory_space<hbm>> -> memref<10000x128xf32, #tpu.memory_space<hbm>>
      tpu.enqueue_indirect_dma source(%dma_start3A_113 : memref<10000x128xf32, #tpu.memory_space<hbm>>) target(%dma_start3A_107 : memref<128x128xf32, #tpu.memory_space<vmem>>) offsets(%dma_start3A_110 : memref<128xi32, #tpu.memory_space<vmem>>) semaphore(%arg7 : memref<!tpu.dma_semaphore, #tpu.memory_space<semaphore_mem>>)
      %dma_start3A_114 = arith.constant 6 : i32
      %dma_start3A_115 = arith.constant 256 : i32
      %dma_start3A_116 = arith.constant 0 : i32
      %dma_start3A_117 = tpu.memref_slice %arg6[%dma_start3A_115, %dma_start3A_116] : memref<512x128xf32, #tpu.memory_space<vmem>> -> memref<128x128xf32, #tpu.memory_space<vmem>>
      %dma_start3A_118 = arith.constant 0 : i32
      %dma_start3A_119 = tpu.memref_slice %arg5[%dma_start3A_114, %dma_start3A_118] : memref<8x128xi32, #tpu.memory_space<vmem>> -> memref<1x128xi32, #tpu.memory_space<vmem>>
      %dma_start3A_120 = tpu.memref_squeeze %dma_start3A_119 : memref<1x128xi32, #tpu.memory_space<vmem>> -> memref<128xi32, #tpu.memory_space<vmem>>
      %dma_start3A_121 = arith.constant 0 : i32
      %dma_start3A_122 = arith.constant 0 : i32
      %dma_start3A_123 = tpu.memref_slice %arg3[%dma_start3A_121, %dma_start3A_122] : memref<10000x128xf32, #tpu.memory_space<hbm>> -> memref<10000x128xf32, #tpu.memory_space<hbm>>
      tpu.enqueue_indirect_dma source(%dma_start3A_123 : memref<10000x128xf32, #tpu.memory_space<hbm>>) target(%dma_start3A_117 : memref<128x128xf32, #tpu.memory_space<vmem>>) offsets(%dma_start3A_120 : memref<128xi32, #tpu.memory_space<vmem>>) semaphore(%arg7 : memref<!tpu.dma_semaphore, #tpu.memory_space<semaphore_mem>>)
      %dma_start3A_124 = arith.constant 7 : i32
      %dma_start3A_125 = arith.constant 384 : i32
      %dma_start3A_126 = arith.constant 0 : i32
      %dma_start3A_127 = tpu.memref_slice %arg6[%dma_start3A_125, %dma_start3A_126] : memref<512x128xf32, #tpu.memory_space<vmem>> -> memref<128x128xf32, #tpu.memory_space<vmem>>
      %dma_start3A_128 = arith.constant 0 : i32
      %dma_start3A_129 = tpu.memref_slice %arg5[%dma_start3A_124, %dma_start3A_128] : memref<8x128xi32, #tpu.memory_space<vmem>> -> memref<1x128xi32, #tpu.memory_space<vmem>>
      %dma_start3A_130 = tpu.memref_squeeze %dma_start3A_129 : memref<1x128xi32, #tpu.memory_space<vmem>> -> memref<128xi32, #tpu.memory_space<vmem>>
      %dma_start3A_131 = arith.constant 0 : i32
      %dma_start3A_132 = arith.constant 0 : i32
      %dma_start3A_133 = tpu.memref_slice %arg3[%dma_start3A_131, %dma_start3A_132] : memref<10000x128xf32, #tpu.memory_space<hbm>> -> memref<10000x128xf32, #tpu.memory_space<hbm>>
      tpu.enqueue_indirect_dma source(%dma_start3A_133 : memref<10000x128xf32, #tpu.memory_space<hbm>>) target(%dma_start3A_127 : memref<128x128xf32, #tpu.memory_space<vmem>>) offsets(%dma_start3A_130 : memref<128xi32, #tpu.memory_space<vmem>>) semaphore(%arg7 : memref<!tpu.dma_semaphore, #tpu.memory_space<semaphore_mem>>)
      %dma_wait3A_134 = arith.constant 4 : i32
      %dma_wait3A_135 = arith.constant 0 : i32
      %dma_wait3A_136 = arith.constant 0 : i32
      %dma_wait3A_137 = tpu.memref_slice %arg6[%dma_wait3A_135, %dma_wait3A_136] : memref<512x128xf32, #tpu.memory_space<vmem>> -> memref<128x128xf32, #tpu.memory_space<vmem>>
      %dma_wait3A_138 = arith.constant 0 : i32
      %dma_wait3A_139 = tpu.memref_slice %arg5[%dma_wait3A_134, %dma_wait3A_138] : memref<8x128xi32, #tpu.memory_space<vmem>> -> memref<1x128xi32, #tpu.memory_space<vmem>>
      %dma_wait3A_140 = tpu.memref_squeeze %dma_wait3A_139 : memref<1x128xi32, #tpu.memory_space<vmem>> -> memref<128xi32, #tpu.memory_space<vmem>>
      %dma_wait3A_141 = arith.constant 0 : i32
      %dma_wait3A_142 = arith.constant 0 : i32
      %dma_wait3A_143 = tpu.memref_slice %arg3[%dma_wait3A_141, %dma_wait3A_142] : memref<10000x128xf32, #tpu.memory_space<hbm>> -> memref<10000x128xf32, #tpu.memory_space<hbm>>
      tpu.wait_indirect_dma semaphore(%arg7 : memref<!tpu.dma_semaphore, #tpu.memory_space<semaphore_mem>>) src(%dma_wait3A_143 : memref<10000x128xf32, #tpu.memory_space<hbm>>) dst(%dma_wait3A_137 : memref<128x128xf32, #tpu.memory_space<vmem>>)
      %dma_wait3A_144 = arith.constant 5 : i32
      %dma_wait3A_145 = arith.constant 128 : i32
      %dma_wait3A_146 = arith.constant 0 : i32
      %dma_wait3A_147 = tpu.memref_slice %arg6[%dma_wait3A_145, %dma_wait3A_146] : memref<512x128xf32, #tpu.memory_space<vmem>> -> memref<128x128xf32, #tpu.memory_space<vmem>>
      %dma_wait3A_148 = arith.constant 0 : i32
      %dma_wait3A_149 = tpu.memref_slice %arg5[%dma_wait3A_144, %dma_wait3A_148] : memref<8x128xi32, #tpu.memory_space<vmem>> -> memref<1x128xi32, #tpu.memory_space<vmem>>
      %dma_wait3A_150 = tpu.memref_squeeze %dma_wait3A_149 : memref<1x128xi32, #tpu.memory_space<vmem>> -> memref<128xi32, #tpu.memory_space<vmem>>
      %dma_wait3A_151 = arith.constant 0 : i32
      %dma_wait3A_152 = arith.constant 0 : i32
      %dma_wait3A_153 = tpu.memref_slice %arg3[%dma_wait3A_151, %dma_wait3A_152] : memref<10000x128xf32, #tpu.memory_space<hbm>> -> memref<10000x128xf32, #tpu.memory_space<hbm>>
      tpu.wait_indirect_dma semaphore(%arg7 : memref<!tpu.dma_semaphore, #tpu.memory_space<semaphore_mem>>) src(%dma_wait3A_153 : memref<10000x128xf32, #tpu.memory_space<hbm>>) dst(%dma_wait3A_147 : memref<128x128xf32, #tpu.memory_space<vmem>>)
      %dma_wait3A_154 = arith.constant 6 : i32
      %dma_wait3A_155 = arith.constant 256 : i32
      %dma_wait3A_156 = arith.constant 0 : i32
      %dma_wait3A_157 = tpu.memref_slice %arg6[%dma_wait3A_155, %dma_wait3A_156] : memref<512x128xf32, #tpu.memory_space<vmem>> -> memref<128x128xf32, #tpu.memory_space<vmem>>
      %dma_wait3A_158 = arith.constant 0 : i32
      %dma_wait3A_159 = tpu.memref_slice %arg5[%dma_wait3A_154, %dma_wait3A_158] : memref<8x128xi32, #tpu.memory_space<vmem>> -> memref<1x128xi32, #tpu.memory_space<vmem>>
      %dma_wait3A_160 = tpu.memref_squeeze %dma_wait3A_159 : memref<1x128xi32, #tpu.memory_space<vmem>> -> memref<128xi32, #tpu.memory_space<vmem>>
      %dma_wait3A_161 = arith.constant 0 : i32
      %dma_wait3A_162 = arith.constant 0 : i32
      %dma_wait3A_163 = tpu.memref_slice %arg3[%dma_wait3A_161, %dma_wait3A_162] : memref<10000x128xf32, #tpu.memory_space<hbm>> -> memref<10000x128xf32, #tpu.memory_space<hbm>>
      tpu.wait_indirect_dma semaphore(%arg7 : memref<!tpu.dma_semaphore, #tpu.memory_space<semaphore_mem>>) src(%dma_wait3A_163 : memref<10000x128xf32, #tpu.memory_space<hbm>>) dst(%dma_wait3A_157 : memref<128x128xf32, #tpu.memory_space<vmem>>)
      %dma_wait3A_164 = arith.constant 7 : i32
      %dma_wait3A_165 = arith.constant 384 : i32
      %dma_wait3A_166 = arith.constant 0 : i32
      %dma_wait3A_167 = tpu.memref_slice %arg6[%dma_wait3A_165, %dma_wait3A_166] : memref<512x128xf32, #tpu.memory_space<vmem>> -> memref<128x128xf32, #tpu.memory_space<vmem>>
      %dma_wait3A_168 = arith.constant 0 : i32
      %dma_wait3A_169 = tpu.memref_slice %arg5[%dma_wait3A_164, %dma_wait3A_168] : memref<8x128xi32, #tpu.memory_space<vmem>> -> memref<1x128xi32, #tpu.memory_space<vmem>>
      %dma_wait3A_170 = tpu.memref_squeeze %dma_wait3A_169 : memref<1x128xi32, #tpu.memory_space<vmem>> -> memref<128xi32, #tpu.memory_space<vmem>>
      %dma_wait3A_171 = arith.constant 0 : i32
      %dma_wait3A_172 = arith.constant 0 : i32
      %dma_wait3A_173 = tpu.memref_slice %arg3[%dma_wait3A_171, %dma_wait3A_172] : memref<10000x128xf32, #tpu.memory_space<hbm>> -> memref<10000x128xf32, #tpu.memory_space<hbm>>
      tpu.wait_indirect_dma semaphore(%arg7 : memref<!tpu.dma_semaphore, #tpu.memory_space<semaphore_mem>>) src(%dma_wait3A_173 : memref<10000x128xf32, #tpu.memory_space<hbm>>) dst(%dma_wait3A_167 : memref<128x128xf32, #tpu.memory_space<vmem>>)
      %add3A_174 = arith.constant 4 : i32
      %add3A_175 = arith.addi %add3A_11, %add3A_174 : i32
      %mul3A_176 = arith.constant 128 : i32
      %mul3A_177 = arith.muli %add3A_175, %mul3A_176 : i32
      %multiple_of3A_178 = tpu.assume_multiple %mul3A_177, 128 : i32
      "tpu.region"() ({
        %run_scoped3A = tpu.sem_alloc : memref<!tpu.dma_semaphore, #tpu.memory_space<semaphore_mem>>
        %dma_start3A_179 = arith.constant 0 : i32
        %dma_start3A_180 = tpu.memref_slice %arg4[%multiple_of3A_178, %dma_start3A_179] : memref<688128x128xf32, #tpu.memory_space<hbm>> -> memref<512x128xf32, #tpu.memory_space<hbm>>
        %dma_start3A_181 = arith.constant 0 : i32
        %dma_start3A_182 = tpu.memref_slice %arg4[%multiple_of3A_178, %dma_start3A_181] : memref<688128x128xf32, #tpu.memory_space<hbm>> -> memref<512x128xf32, #tpu.memory_space<hbm>>
        tpu.enqueue_dma source(%arg6 : memref<512x128xf32, #tpu.memory_space<vmem>>) target(%dma_start3A_182 : memref<512x128xf32, #tpu.memory_space<hbm>>) target_semaphore(%run_scoped3A : memref<!tpu.dma_semaphore, #tpu.memory_space<semaphore_mem>>)
        %dma_wait3A_183 = arith.constant 0 : i32
        %dma_wait3A_184 = tpu.memref_slice %arg4[%multiple_of3A_178, %dma_wait3A_183] : memref<688128x128xf32, #tpu.memory_space<hbm>> -> memref<512x128xf32, #tpu.memory_space<hbm>>
        %dma_wait3A_185 = arith.constant 0 : i32
        %dma_wait3A_186 = tpu.memref_slice %arg4[%multiple_of3A_178, %dma_wait3A_185] : memref<688128x128xf32, #tpu.memory_space<hbm>> -> memref<512x128xf32, #tpu.memory_space<hbm>>
        tpu.wait_dma2 semaphore(%run_scoped3A : memref<!tpu.dma_semaphore, #tpu.memory_space<semaphore_mem>>) src(%arg6 : memref<512x128xf32, #tpu.memory_space<vmem>>) dst(%dma_wait3A_186 : memref<512x128xf32, #tpu.memory_space<hbm>>)
        tpu.yield
      }) : () -> ()
    }
    %scan3A_7 = arith.constant 21 : i32
    return
  }
}

module attributes {stable_mosaic.version = 14 : i64} {
  func.func @_main_body(%arg0: i32, %arg1: memref<1280x64xf32, #tpu.memory_space<vmem>>, %arg2: memref<1280x64xf32, #tpu.memory_space<vmem>>, %arg3: memref<1280x128xf32, #tpu.memory_space<vmem>>, %arg4: memref<1280x128xf32, #tpu.memory_space<vmem>>, %arg5: memref<64x392xf32, #tpu.memory_space<vmem>>, %arg6: memref<1x128xf32, #tpu.memory_space<vmem>>, %arg7: memref<128x128xf32, #tpu.memory_space<vmem>>, %arg8: memref<1x128xf32, #tpu.memory_space<vmem>>, %arg9: memref<1x128xf32, #tpu.memory_space<vmem>>, %arg10: memref<1x128xf32, #tpu.memory_space<vmem>>, %arg11: memref<1x128xf32, #tpu.memory_space<vmem>>, %arg12: memref<1x128xf32, #tpu.memory_space<vmem>>, %arg13: memref<128x128xf32, #tpu.memory_space<vmem>>, %arg14: memref<1x128xf32, #tpu.memory_space<vmem>>, %arg15: memref<1x128xf32, #tpu.memory_space<vmem>>, %arg16: memref<1x128xf32, #tpu.memory_space<vmem>>, %arg17: memref<384x128xf32, #tpu.memory_space<vmem>>, %arg18: memref<1x128xf32, #tpu.memory_space<vmem>>, %arg19: memref<128x128xf32, #tpu.memory_space<vmem>>, %arg20: memref<1x128xf32, #tpu.memory_space<vmem>>, %arg21: memref<1x128xf32, #tpu.memory_space<vmem>>, %arg22: memref<1x128xf32, #tpu.memory_space<vmem>>, %arg23: memref<128x384xf32, #tpu.memory_space<vmem>>, %arg24: memref<1x384xf32, #tpu.memory_space<vmem>>, %arg25: memref<384x8xf32, #tpu.memory_space<vmem>>, %arg26: memref<1x8xf32, #tpu.memory_space<vmem>>, %arg27: memref<1280x128xf32, #tpu.memory_space<vmem>>, %arg28: memref<1280x8xf32, #tpu.memory_space<vmem>>) attributes {dimension_semantics = [#tpu.dimension_semantics<arbitrary>], iteration_bounds = array<i64: 250>, scalar_prefetch = 0 : i64, scratch_operands = 0 : i64, tpu.core_type = #tpu.core_type<tc>, window_params = [{transform_indices = @transform_0, window_bounds = array<i64: 1280, 64>}, {transform_indices = @transform_1, window_bounds = array<i64: 1280, 64>}, {transform_indices = @transform_2, window_bounds = array<i64: 1280, 128>}, {transform_indices = @transform_3, window_bounds = array<i64: 1280, 128>}, {pipeline_mode = #tpu.pipeline_mode<synchronous>, transform_indices = @transform_4, window_bounds = array<i64: 64, 392>}, {pipeline_mode = #tpu.pipeline_mode<synchronous>, transform_indices = @transform_5, window_bounds = array<i64: 1, 128>}, {pipeline_mode = #tpu.pipeline_mode<synchronous>, transform_indices = @transform_6, window_bounds = array<i64: 128, 128>}, {pipeline_mode = #tpu.pipeline_mode<synchronous>, transform_indices = @transform_7, window_bounds = array<i64: 1, 128>}, {pipeline_mode = #tpu.pipeline_mode<synchronous>, transform_indices = @transform_8, window_bounds = array<i64: 1, 128>}, {pipeline_mode = #tpu.pipeline_mode<synchronous>, transform_indices = @transform_9, window_bounds = array<i64: 1, 128>}, {pipeline_mode = #tpu.pipeline_mode<synchronous>, transform_indices = @transform_10, window_bounds = array<i64: 1, 128>}, {pipeline_mode = #tpu.pipeline_mode<synchronous>, transform_indices = @transform_11, window_bounds = array<i64: 1, 128>}, {pipeline_mode = #tpu.pipeline_mode<synchronous>, transform_indices = @transform_12, window_bounds = array<i64: 128, 128>}, {pipeline_mode = #tpu.pipeline_mode<synchronous>, transform_indices = @transform_13, window_bounds = array<i64: 1, 128>}, {pipeline_mode = #tpu.pipeline_mode<synchronous>, transform_indices = @transform_14, window_bounds = array<i64: 1, 128>}, {pipeline_mode = #tpu.pipeline_mode<synchronous>, transform_indices = @transform_15, window_bounds = array<i64: 1, 128>}, {pipeline_mode = #tpu.pipeline_mode<synchronous>, transform_indices = @transform_16, window_bounds = array<i64: 384, 128>}, {pipeline_mode = #tpu.pipeline_mode<synchronous>, transform_indices = @transform_17, window_bounds = array<i64: 1, 128>}, {pipeline_mode = #tpu.pipeline_mode<synchronous>, transform_indices = @transform_18, window_bounds = array<i64: 128, 128>}, {pipeline_mode = #tpu.pipeline_mode<synchronous>, transform_indices = @transform_19, window_bounds = array<i64: 1, 128>}, {pipeline_mode = #tpu.pipeline_mode<synchronous>, transform_indices = @transform_20, window_bounds = array<i64: 1, 128>}, {pipeline_mode = #tpu.pipeline_mode<synchronous>, transform_indices = @transform_21, window_bounds = array<i64: 1, 128>}, {pipeline_mode = #tpu.pipeline_mode<synchronous>, transform_indices = @transform_22, window_bounds = array<i64: 128, 384>}, {pipeline_mode = #tpu.pipeline_mode<synchronous>, transform_indices = @transform_23, window_bounds = array<i64: 1, 384>}, {pipeline_mode = #tpu.pipeline_mode<synchronous>, transform_indices = @transform_24, window_bounds = array<i64: 384, 8>}, {pipeline_mode = #tpu.pipeline_mode<synchronous>, transform_indices = @transform_25, window_bounds = array<i64: 1, 8>}, {transform_indices = @transform_26, window_bounds = array<i64: 1280, 128>}, {transform_indices = @transform_27, window_bounds = array<i64: 1280, 8>}]} {
    %get3A = arith.constant 0 : index
    %get3A_0 = arith.constant 0 : index
    %get3A_1 = vector.load %arg1[%get3A, %get3A_0] : memref<1280x64xf32, #tpu.memory_space<vmem>>, vector<1280x64xf32>
    %get3A_2 = arith.constant 0 : index
    %get3A_3 = arith.constant 0 : index
    %get3A_4 = vector.load %arg2[%get3A_2, %get3A_3] : memref<1280x64xf32, #tpu.memory_space<vmem>>, vector<1280x64xf32>
    %mul3A = arith.mulf %get3A_1, %get3A_4 : vector<1280x64xf32>
    %get3A_5 = arith.constant 0 : index
    %get3A_6 = arith.constant 0 : index
    %get3A_7 = vector.load %arg5[%get3A_5, %get3A_6] : memref<64x392xf32, #tpu.memory_space<vmem>>, vector<64x392xf32>
    %dot_general3A = arith.constant dense<0.000000e+00> : vector<1280x392xf32>
    %dot_general3A_8 = tpu.matmul %mul3A, %get3A_7, %dot_general3A {dimension_numbers = #tpu.dot_dimension_numbers<[1], [0], [0], [1], [0, 0, 1, 1], [], []>, transpose_lhs_hint = false} : vector<1280x64xf32>, vector<64x392xf32>, vector<1280x392xf32> -> vector<1280x392xf32>
    %slice3A = vector.extract_strided_slice %dot_general3A_8 {offsets = [0, 0], sizes = [1280, 128], strides = [1, 1]} : vector<1280x392xf32> to vector<1280x128xf32>
    %get3A_9 = arith.constant 0 : index
    %get3A_10 = arith.constant 0 : index
    %get3A_11 = vector.load %arg6[%get3A_9, %get3A_10] : memref<1x128xf32, #tpu.memory_space<vmem>>, vector<1x128xf32>
    %add3A = vector.broadcast %get3A_11 : vector<1x128xf32> to vector<1280x128xf32>
    %add3A_12 = arith.addf %slice3A, %add3A : vector<1280x128xf32>
    %slice3A_13 = vector.extract_strided_slice %dot_general3A_8 {offsets = [0, 128], sizes = [1280, 128], strides = [1, 1]} : vector<1280x392xf32> to vector<1280x128xf32>
    %get3A_14 = arith.constant 0 : index
    %get3A_15 = arith.constant 0 : index
    %get3A_16 = vector.load %arg6[%get3A_14, %get3A_15] : memref<1x128xf32, #tpu.memory_space<vmem>>, vector<1x128xf32>
    %add3A_17 = vector.broadcast %get3A_16 : vector<1x128xf32> to vector<1280x128xf32>
    %add3A_18 = arith.addf %slice3A_13, %add3A_17 : vector<1280x128xf32>
    %slice3A_19 = vector.extract_strided_slice %dot_general3A_8 {offsets = [0, 384], sizes = [1280, 1], strides = [1, 1]} : vector<1280x392xf32> to vector<1280x1xf32>
    %sqrt3A = math.sqrt %slice3A_19 : vector<1280x1xf32>
    %slice3A_20 = vector.extract_strided_slice %dot_general3A_8 {offsets = [0, 256], sizes = [1280, 128], strides = [1, 1]} : vector<1280x392xf32> to vector<1280x128xf32>
    %get3A_21 = arith.constant 0 : index
    %get3A_22 = arith.constant 0 : index
    %get3A_23 = vector.load %arg11[%get3A_21, %get3A_22] : memref<1x128xf32, #tpu.memory_space<vmem>>, vector<1x128xf32>
    %mul3A_24 = vector.broadcast %sqrt3A : vector<1280x1xf32> to vector<1280x128xf32>
    %mul3A_25 = vector.broadcast %get3A_23 : vector<1x128xf32> to vector<1280x128xf32>
    %mul3A_26 = arith.mulf %mul3A_24, %mul3A_25 : vector<1280x128xf32>
    %add3A_27 = arith.addf %slice3A_20, %mul3A_26 : vector<1280x128xf32>
    %get3A_28 = arith.constant 0 : index
    %get3A_29 = arith.constant 0 : index
    %get3A_30 = vector.load %arg12[%get3A_28, %get3A_29] : memref<1x128xf32, #tpu.memory_space<vmem>>, vector<1x128xf32>
    %add3A_31 = vector.broadcast %get3A_30 : vector<1x128xf32> to vector<1280x128xf32>
    %add3A_32 = arith.addf %add3A_27, %add3A_31 : vector<1280x128xf32>
    %max3A = arith.constant 0.000000e+00 : f32
    %max3A_33 = vector.broadcast %max3A : f32 to vector<1280x128xf32>
    %max3A_34 = arith.maximumf %add3A_12, %max3A_33 : vector<1280x128xf32>
    %max3A_35 = arith.constant 0.000000e+00 : f32
    %max3A_36 = vector.broadcast %max3A_35 : f32 to vector<1280x128xf32>
    %max3A_37 = arith.maximumf %add3A_18, %max3A_36 : vector<1280x128xf32>
    %concatenate3A = tpu.concatenate %max3A_34, %max3A_37 in 0 : vector<1280x128xf32>, vector<1280x128xf32> -> vector<2560x128xf32>
    %get3A_38 = arith.constant 0 : index
    %get3A_39 = arith.constant 0 : index
    %get3A_40 = vector.load %arg7[%get3A_38, %get3A_39] : memref<128x128xf32, #tpu.memory_space<vmem>>, vector<128x128xf32>
    %dot_general3A_41 = arith.constant dense<0.000000e+00> : vector<2560x128xf32>
    %dot_general3A_42 = tpu.matmul %concatenate3A, %get3A_40, %dot_general3A_41 {dimension_numbers = #tpu.dot_dimension_numbers<[1], [0], [0], [1], [0, 0, 1, 1], [], []>, transpose_lhs_hint = false} : vector<2560x128xf32>, vector<128x128xf32>, vector<2560x128xf32> -> vector<2560x128xf32>
    %get3A_43 = arith.constant 0 : index
    %get3A_44 = arith.constant 0 : index
    %get3A_45 = vector.load %arg8[%get3A_43, %get3A_44] : memref<1x128xf32, #tpu.memory_space<vmem>>, vector<1x128xf32>
    %add3A_46 = vector.broadcast %get3A_45 : vector<1x128xf32> to vector<2560x128xf32>
    %add3A_47 = arith.addf %dot_general3A_42, %add3A_46 : vector<2560x128xf32>
    %get3A_48 = arith.constant 0 : index
    %get3A_49 = arith.constant 0 : index
    %get3A_50 = vector.load %arg9[%get3A_48, %get3A_49] : memref<1x128xf32, #tpu.memory_space<vmem>>, vector<1x128xf32>
    %get3A_51 = arith.constant 0 : index
    %get3A_52 = arith.constant 0 : index
    %get3A_53 = vector.load %arg10[%get3A_51, %get3A_52] : memref<1x128xf32, #tpu.memory_space<vmem>>, vector<1x128xf32>
    %reduce_sum3A = arith.constant dense<0.000000e+00> : vector<2560xf32>
    %reduce_sum3A_54 = vector.multi_reduction <add>, %add3A_47, %reduce_sum3A [1] : vector<2560x128xf32> to vector<2560xf32>
    %broadcast_in_dim3A = vector.shape_cast %reduce_sum3A_54 : vector<2560xf32> to vector<2560x1xf32>
    %div3A = arith.constant 1.280000e+02 : f32
    %div3A_55 = vector.broadcast %div3A : f32 to vector<2560x1xf32>
    %div3A_56 = arith.divf %broadcast_in_dim3A, %div3A_55 : vector<2560x1xf32>
    %sub3A = vector.broadcast %div3A_56 : vector<2560x1xf32> to vector<2560x128xf32>
    %sub3A_57 = arith.subf %add3A_47, %sub3A : vector<2560x128xf32>
    %integer_pow3A = arith.mulf %sub3A_57, %sub3A_57 : vector<2560x128xf32>
    %reduce_sum3A_58 = arith.constant dense<0.000000e+00> : vector<2560xf32>
    %reduce_sum3A_59 = vector.multi_reduction <add>, %integer_pow3A, %reduce_sum3A_58 [1] : vector<2560x128xf32> to vector<2560xf32>
    %broadcast_in_dim3A_60 = vector.shape_cast %reduce_sum3A_59 : vector<2560xf32> to vector<2560x1xf32>
    %div3A_61 = arith.constant 1.280000e+02 : f32
    %div3A_62 = vector.broadcast %div3A_61 : f32 to vector<2560x1xf32>
    %div3A_63 = arith.divf %broadcast_in_dim3A_60, %div3A_62 : vector<2560x1xf32>
    %sub3A_64 = vector.broadcast %div3A_56 : vector<2560x1xf32> to vector<2560x128xf32>
    %sub3A_65 = arith.subf %add3A_47, %sub3A_64 : vector<2560x128xf32>
    %add3A_66 = arith.constant 9.99999974E-6 : f32
    %add3A_67 = vector.broadcast %add3A_66 : f32 to vector<2560x1xf32>
    %add3A_68 = arith.addf %div3A_63, %add3A_67 : vector<2560x1xf32>
    %sqrt3A_69 = math.sqrt %add3A_68 : vector<2560x1xf32>
    %div3A_70 = vector.broadcast %sqrt3A_69 : vector<2560x1xf32> to vector<2560x128xf32>
    %div3A_71 = arith.divf %sub3A_65, %div3A_70 : vector<2560x128xf32>
    %mul3A_72 = vector.broadcast %get3A_50 : vector<1x128xf32> to vector<2560x128xf32>
    %mul3A_73 = arith.mulf %div3A_71, %mul3A_72 : vector<2560x128xf32>
    %add3A_74 = vector.broadcast %get3A_53 : vector<1x128xf32> to vector<2560x128xf32>
    %add3A_75 = arith.addf %mul3A_73, %add3A_74 : vector<2560x128xf32>
    %slice3A_76 = vector.extract_strided_slice %add3A_75 {offsets = [0, 0], sizes = [1280, 128], strides = [1, 1]} : vector<2560x128xf32> to vector<1280x128xf32>
    %slice3A_77 = vector.extract_strided_slice %add3A_75 {offsets = [1280, 0], sizes = [1280, 128], strides = [1, 1]} : vector<2560x128xf32> to vector<1280x128xf32>
    %add3A_78 = arith.addf %slice3A_76, %slice3A_77 : vector<1280x128xf32>
    %max3A_79 = arith.constant 0.000000e+00 : f32
    %max3A_80 = vector.broadcast %max3A_79 : f32 to vector<1280x128xf32>
    %max3A_81 = arith.maximumf %add3A_32, %max3A_80 : vector<1280x128xf32>
    %get3A_82 = arith.constant 0 : index
    %get3A_83 = arith.constant 0 : index
    %get3A_84 = vector.load %arg13[%get3A_82, %get3A_83] : memref<128x128xf32, #tpu.memory_space<vmem>>, vector<128x128xf32>
    %dot_general3A_85 = arith.constant dense<0.000000e+00> : vector<1280x128xf32>
    %dot_general3A_86 = tpu.matmul %max3A_81, %get3A_84, %dot_general3A_85 {dimension_numbers = #tpu.dot_dimension_numbers<[1], [0], [0], [1], [0, 0, 1, 1], [], []>, transpose_lhs_hint = false} : vector<1280x128xf32>, vector<128x128xf32>, vector<1280x128xf32> -> vector<1280x128xf32>
    %get3A_87 = arith.constant 0 : index
    %get3A_88 = arith.constant 0 : index
    %get3A_89 = vector.load %arg14[%get3A_87, %get3A_88] : memref<1x128xf32, #tpu.memory_space<vmem>>, vector<1x128xf32>
    %add3A_90 = vector.broadcast %get3A_89 : vector<1x128xf32> to vector<1280x128xf32>
    %add3A_91 = arith.addf %dot_general3A_86, %add3A_90 : vector<1280x128xf32>
    %get3A_92 = arith.constant 0 : index
    %get3A_93 = arith.constant 0 : index
    %get3A_94 = vector.load %arg15[%get3A_92, %get3A_93] : memref<1x128xf32, #tpu.memory_space<vmem>>, vector<1x128xf32>
    %get3A_95 = arith.constant 0 : index
    %get3A_96 = arith.constant 0 : index
    %get3A_97 = vector.load %arg16[%get3A_95, %get3A_96] : memref<1x128xf32, #tpu.memory_space<vmem>>, vector<1x128xf32>
    %reduce_sum3A_98 = arith.constant dense<0.000000e+00> : vector<1280xf32>
    %reduce_sum3A_99 = vector.multi_reduction <add>, %add3A_91, %reduce_sum3A_98 [1] : vector<1280x128xf32> to vector<1280xf32>
    %broadcast_in_dim3A_100 = vector.shape_cast %reduce_sum3A_99 : vector<1280xf32> to vector<1280x1xf32>
    %div3A_101 = arith.constant 1.280000e+02 : f32
    %div3A_102 = vector.broadcast %div3A_101 : f32 to vector<1280x1xf32>
    %div3A_103 = arith.divf %broadcast_in_dim3A_100, %div3A_102 : vector<1280x1xf32>
    %sub3A_104 = vector.broadcast %div3A_103 : vector<1280x1xf32> to vector<1280x128xf32>
    %sub3A_105 = arith.subf %add3A_91, %sub3A_104 : vector<1280x128xf32>
    %integer_pow3A_106 = arith.mulf %sub3A_105, %sub3A_105 : vector<1280x128xf32>
    %reduce_sum3A_107 = arith.constant dense<0.000000e+00> : vector<1280xf32>
    %reduce_sum3A_108 = vector.multi_reduction <add>, %integer_pow3A_106, %reduce_sum3A_107 [1] : vector<1280x128xf32> to vector<1280xf32>
    %broadcast_in_dim3A_109 = vector.shape_cast %reduce_sum3A_108 : vector<1280xf32> to vector<1280x1xf32>
    %div3A_110 = arith.constant 1.280000e+02 : f32
    %div3A_111 = vector.broadcast %div3A_110 : f32 to vector<1280x1xf32>
    %div3A_112 = arith.divf %broadcast_in_dim3A_109, %div3A_111 : vector<1280x1xf32>
    %sub3A_113 = vector.broadcast %div3A_103 : vector<1280x1xf32> to vector<1280x128xf32>
    %sub3A_114 = arith.subf %add3A_91, %sub3A_113 : vector<1280x128xf32>
    %add3A_115 = arith.constant 9.99999974E-6 : f32
    %add3A_116 = vector.broadcast %add3A_115 : f32 to vector<1280x1xf32>
    %add3A_117 = arith.addf %div3A_112, %add3A_116 : vector<1280x1xf32>
    %sqrt3A_118 = math.sqrt %add3A_117 : vector<1280x1xf32>
    %div3A_119 = vector.broadcast %sqrt3A_118 : vector<1280x1xf32> to vector<1280x128xf32>
    %div3A_120 = arith.divf %sub3A_114, %div3A_119 : vector<1280x128xf32>
    %mul3A_121 = vector.broadcast %get3A_94 : vector<1x128xf32> to vector<1280x128xf32>
    %mul3A_122 = arith.mulf %div3A_120, %mul3A_121 : vector<1280x128xf32>
    %add3A_123 = vector.broadcast %get3A_97 : vector<1x128xf32> to vector<1280x128xf32>
    %add3A_124 = arith.addf %mul3A_122, %add3A_123 : vector<1280x128xf32>
    %get3A_125 = arith.constant 0 : index
    %get3A_126 = arith.constant 0 : index
    %get3A_127 = vector.load %arg3[%get3A_125, %get3A_126] : memref<1280x128xf32, #tpu.memory_space<vmem>>, vector<1280x128xf32>
    %get3A_128 = arith.constant 0 : index
    %get3A_129 = arith.constant 0 : index
    %get3A_130 = vector.load %arg4[%get3A_128, %get3A_129] : memref<1280x128xf32, #tpu.memory_space<vmem>>, vector<1280x128xf32>
    %add3A_131 = arith.addf %get3A_127, %get3A_130 : vector<1280x128xf32>
    %concatenate3A_132 = tpu.concatenate %add3A_78, %add3A_131, %add3A_124 in 1 : vector<1280x128xf32>, vector<1280x128xf32>, vector<1280x128xf32> -> vector<1280x384xf32>
    %get3A_133 = arith.constant 0 : index
    %get3A_134 = arith.constant 0 : index
    %get3A_135 = vector.load %arg17[%get3A_133, %get3A_134] : memref<384x128xf32, #tpu.memory_space<vmem>>, vector<384x128xf32>
    %dot_general3A_136 = arith.constant dense<0.000000e+00> : vector<1280x128xf32>
    %dot_general3A_137 = tpu.matmul %concatenate3A_132, %get3A_135, %dot_general3A_136 {dimension_numbers = #tpu.dot_dimension_numbers<[1], [0], [0], [1], [0, 0, 1, 1], [], []>, transpose_lhs_hint = false} : vector<1280x384xf32>, vector<384x128xf32>, vector<1280x128xf32> -> vector<1280x128xf32>
    %get3A_138 = arith.constant 0 : index
    %get3A_139 = arith.constant 0 : index
    %get3A_140 = vector.load %arg18[%get3A_138, %get3A_139] : memref<1x128xf32, #tpu.memory_space<vmem>>, vector<1x128xf32>
    %add3A_141 = vector.broadcast %get3A_140 : vector<1x128xf32> to vector<1280x128xf32>
    %add3A_142 = arith.addf %dot_general3A_137, %add3A_141 : vector<1280x128xf32>
    %max3A_143 = arith.constant 0.000000e+00 : f32
    %max3A_144 = vector.broadcast %max3A_143 : f32 to vector<1280x128xf32>
    %max3A_145 = arith.maximumf %add3A_142, %max3A_144 : vector<1280x128xf32>
    %get3A_146 = arith.constant 0 : index
    %get3A_147 = arith.constant 0 : index
    %get3A_148 = vector.load %arg19[%get3A_146, %get3A_147] : memref<128x128xf32, #tpu.memory_space<vmem>>, vector<128x128xf32>
    %dot_general3A_149 = arith.constant dense<0.000000e+00> : vector<1280x128xf32>
    %dot_general3A_150 = tpu.matmul %max3A_145, %get3A_148, %dot_general3A_149 {dimension_numbers = #tpu.dot_dimension_numbers<[1], [0], [0], [1], [0, 0, 1, 1], [], []>, transpose_lhs_hint = false} : vector<1280x128xf32>, vector<128x128xf32>, vector<1280x128xf32> -> vector<1280x128xf32>
    %get3A_151 = arith.constant 0 : index
    %get3A_152 = arith.constant 0 : index
    %get3A_153 = vector.load %arg20[%get3A_151, %get3A_152] : memref<1x128xf32, #tpu.memory_space<vmem>>, vector<1x128xf32>
    %add3A_154 = vector.broadcast %get3A_153 : vector<1x128xf32> to vector<1280x128xf32>
    %add3A_155 = arith.addf %dot_general3A_150, %add3A_154 : vector<1280x128xf32>
    %get3A_156 = arith.constant 0 : index
    %get3A_157 = arith.constant 0 : index
    %get3A_158 = vector.load %arg21[%get3A_156, %get3A_157] : memref<1x128xf32, #tpu.memory_space<vmem>>, vector<1x128xf32>
    %get3A_159 = arith.constant 0 : index
    %get3A_160 = arith.constant 0 : index
    %get3A_161 = vector.load %arg22[%get3A_159, %get3A_160] : memref<1x128xf32, #tpu.memory_space<vmem>>, vector<1x128xf32>
    %reduce_sum3A_162 = arith.constant dense<0.000000e+00> : vector<1280xf32>
    %reduce_sum3A_163 = vector.multi_reduction <add>, %add3A_155, %reduce_sum3A_162 [1] : vector<1280x128xf32> to vector<1280xf32>
    %broadcast_in_dim3A_164 = vector.shape_cast %reduce_sum3A_163 : vector<1280xf32> to vector<1280x1xf32>
    %div3A_165 = arith.constant 1.280000e+02 : f32
    %div3A_166 = vector.broadcast %div3A_165 : f32 to vector<1280x1xf32>
    %div3A_167 = arith.divf %broadcast_in_dim3A_164, %div3A_166 : vector<1280x1xf32>
    %sub3A_168 = vector.broadcast %div3A_167 : vector<1280x1xf32> to vector<1280x128xf32>
    %sub3A_169 = arith.subf %add3A_155, %sub3A_168 : vector<1280x128xf32>
    %integer_pow3A_170 = arith.mulf %sub3A_169, %sub3A_169 : vector<1280x128xf32>
    %reduce_sum3A_171 = arith.constant dense<0.000000e+00> : vector<1280xf32>
    %reduce_sum3A_172 = vector.multi_reduction <add>, %integer_pow3A_170, %reduce_sum3A_171 [1] : vector<1280x128xf32> to vector<1280xf32>
    %broadcast_in_dim3A_173 = vector.shape_cast %reduce_sum3A_172 : vector<1280xf32> to vector<1280x1xf32>
    %div3A_174 = arith.constant 1.280000e+02 : f32
    %div3A_175 = vector.broadcast %div3A_174 : f32 to vector<1280x1xf32>
    %div3A_176 = arith.divf %broadcast_in_dim3A_173, %div3A_175 : vector<1280x1xf32>
    %sub3A_177 = vector.broadcast %div3A_167 : vector<1280x1xf32> to vector<1280x128xf32>
    %sub3A_178 = arith.subf %add3A_155, %sub3A_177 : vector<1280x128xf32>
    %add3A_179 = arith.constant 9.99999974E-6 : f32
    %add3A_180 = vector.broadcast %add3A_179 : f32 to vector<1280x1xf32>
    %add3A_181 = arith.addf %div3A_176, %add3A_180 : vector<1280x1xf32>
    %sqrt3A_182 = math.sqrt %add3A_181 : vector<1280x1xf32>
    %div3A_183 = vector.broadcast %sqrt3A_182 : vector<1280x1xf32> to vector<1280x128xf32>
    %div3A_184 = arith.divf %sub3A_178, %div3A_183 : vector<1280x128xf32>
    %mul3A_185 = vector.broadcast %get3A_158 : vector<1x128xf32> to vector<1280x128xf32>
    %mul3A_186 = arith.mulf %div3A_184, %mul3A_185 : vector<1280x128xf32>
    %add3A_187 = vector.broadcast %get3A_161 : vector<1x128xf32> to vector<1280x128xf32>
    %add3A_188 = arith.addf %mul3A_186, %add3A_187 : vector<1280x128xf32>
    %swap3A = arith.constant 0 : index
    %swap3A_189 = arith.constant 0 : index
    %swap3A_190 = vector.load %arg27[%swap3A, %swap3A_189] : memref<1280x128xf32, #tpu.memory_space<vmem>>, vector<1280x128xf32>
    tpu.vector_store %arg27[%swap3A, %swap3A_189], %add3A_188 {strides = array<i32>} : memref<1280x128xf32, #tpu.memory_space<vmem>>, vector<1280x128xf32>,
    %get3A_191 = arith.constant 0 : index
    %get3A_192 = arith.constant 0 : index
    %get3A_193 = vector.load %arg23[%get3A_191, %get3A_192] : memref<128x384xf32, #tpu.memory_space<vmem>>, vector<128x384xf32>
    %dot_general3A_194 = arith.constant dense<0.000000e+00> : vector<1280x384xf32>
    %dot_general3A_195 = tpu.matmul %add3A_188, %get3A_193, %dot_general3A_194 {dimension_numbers = #tpu.dot_dimension_numbers<[1], [0], [0], [1], [0, 0, 1, 1], [], []>, transpose_lhs_hint = false} : vector<1280x128xf32>, vector<128x384xf32>, vector<1280x384xf32> -> vector<1280x384xf32>
    %get3A_196 = arith.constant 0 : index
    %get3A_197 = arith.constant 0 : index
    %get3A_198 = vector.load %arg24[%get3A_196, %get3A_197] : memref<1x384xf32, #tpu.memory_space<vmem>>, vector<1x384xf32>
    %add3A_199 = vector.broadcast %get3A_198 : vector<1x384xf32> to vector<1280x384xf32>
    %add3A_200 = arith.addf %dot_general3A_195, %add3A_199 : vector<1280x384xf32>
    %max3A_201 = arith.constant 0.000000e+00 : f32
    %max3A_202 = vector.broadcast %max3A_201 : f32 to vector<1280x384xf32>
    %max3A_203 = arith.maximumf %add3A_200, %max3A_202 : vector<1280x384xf32>
    %get3A_204 = arith.constant 0 : index
    %get3A_205 = arith.constant 0 : index
    %get3A_206 = vector.load %arg25[%get3A_204, %get3A_205] : memref<384x8xf32, #tpu.memory_space<vmem>>, vector<384x8xf32>
    %dot_general3A_207 = arith.constant dense<0.000000e+00> : vector<1280x8xf32>
    %dot_general3A_208 = tpu.matmul %max3A_203, %get3A_206, %dot_general3A_207 {dimension_numbers = #tpu.dot_dimension_numbers<[1], [0], [0], [1], [0, 0, 1, 1], [], []>, transpose_lhs_hint = false} : vector<1280x384xf32>, vector<384x8xf32>, vector<1280x8xf32> -> vector<1280x8xf32>
    %get3A_209 = arith.constant 0 : index
    %get3A_210 = arith.constant 0 : index
    %get3A_211 = vector.load %arg26[%get3A_209, %get3A_210] : memref<1x8xf32, #tpu.memory_space<vmem>>, vector<1x8xf32>
    %add3A_212 = vector.broadcast %get3A_211 : vector<1x8xf32> to vector<1280x8xf32>
    %add3A_213 = arith.addf %dot_general3A_208, %add3A_212 : vector<1280x8xf32>
    %slice3A_214 = vector.extract_strided_slice %get3A_1 {offsets = [0, 0], sizes = [1280, 3], strides = [1, 1]} : vector<1280x64xf32> to vector<1280x3xf32>
    %slice3A_215 = vector.extract_strided_slice %get3A_1 {offsets = [0, 3], sizes = [1280, 3], strides = [1, 1]} : vector<1280x64xf32> to vector<1280x3xf32>
    %slice3A_216 = vector.extract_strided_slice %get3A_1 {offsets = [0, 6], sizes = [1280, 3], strides = [1, 1]} : vector<1280x64xf32> to vector<1280x3xf32>
    %slice3A_217 = vector.extract_strided_slice %get3A_1 {offsets = [0, 39], sizes = [1280, 3], strides = [1, 1]} : vector<1280x64xf32> to vector<1280x3xf32>
    %slice3A_218 = vector.extract_strided_slice %get3A_4 {offsets = [0, 39], sizes = [1280, 3], strides = [1, 1]} : vector<1280x64xf32> to vector<1280x3xf32>
    %sub3A_219 = arith.subf %slice3A_217, %slice3A_218 : vector<1280x3xf32>
    %slice3A_220 = vector.extract_strided_slice %add3A_213 {offsets = [0, 0], sizes = [1280, 1], strides = [1, 1]} : vector<1280x8xf32> to vector<1280x1xf32>
    %mul3A_221 = vector.broadcast %slice3A_220 : vector<1280x1xf32> to vector<1280x3xf32>
    %mul3A_222 = arith.mulf %mul3A_221, %slice3A_214 : vector<1280x3xf32>
    %slice3A_223 = vector.extract_strided_slice %add3A_213 {offsets = [0, 1], sizes = [1280, 1], strides = [1, 1]} : vector<1280x8xf32> to vector<1280x1xf32>
    %mul3A_224 = vector.broadcast %slice3A_223 : vector<1280x1xf32> to vector<1280x3xf32>
    %mul3A_225 = arith.mulf %mul3A_224, %slice3A_215 : vector<1280x3xf32>
    %add3A_226 = arith.addf %mul3A_222, %mul3A_225 : vector<1280x3xf32>
    %slice3A_227 = vector.extract_strided_slice %add3A_213 {offsets = [0, 2], sizes = [1280, 1], strides = [1, 1]} : vector<1280x8xf32> to vector<1280x1xf32>
    %mul3A_228 = vector.broadcast %slice3A_227 : vector<1280x1xf32> to vector<1280x3xf32>
    %mul3A_229 = arith.mulf %mul3A_228, %slice3A_216 : vector<1280x3xf32>
    %add3A_230 = arith.addf %add3A_226, %mul3A_229 : vector<1280x3xf32>
    %slice3A_231 = vector.extract_strided_slice %add3A_213 {offsets = [0, 3], sizes = [1280, 1], strides = [1, 1]} : vector<1280x8xf32> to vector<1280x1xf32>
    %mul3A_232 = vector.broadcast %slice3A_231 : vector<1280x1xf32> to vector<1280x3xf32>
    %mul3A_233 = arith.mulf %mul3A_232, %slice3A_214 : vector<1280x3xf32>
    %slice3A_234 = vector.extract_strided_slice %add3A_213 {offsets = [0, 4], sizes = [1280, 1], strides = [1, 1]} : vector<1280x8xf32> to vector<1280x1xf32>
    %mul3A_235 = vector.broadcast %slice3A_234 : vector<1280x1xf32> to vector<1280x3xf32>
    %mul3A_236 = arith.mulf %mul3A_235, %slice3A_215 : vector<1280x3xf32>
    %add3A_237 = arith.addf %mul3A_233, %mul3A_236 : vector<1280x3xf32>
    %slice3A_238 = vector.extract_strided_slice %add3A_213 {offsets = [0, 5], sizes = [1280, 1], strides = [1, 1]} : vector<1280x8xf32> to vector<1280x1xf32>
    %mul3A_239 = vector.broadcast %slice3A_238 : vector<1280x1xf32> to vector<1280x3xf32>
    %mul3A_240 = arith.mulf %mul3A_239, %slice3A_216 : vector<1280x3xf32>
    %add3A_241 = arith.addf %add3A_237, %mul3A_240 : vector<1280x3xf32>
    %slice3A_242 = vector.extract_strided_slice %add3A_213 {offsets = [0, 6], sizes = [1280, 1], strides = [1, 1]} : vector<1280x8xf32> to vector<1280x1xf32>
    %mul3A_243 = vector.broadcast %slice3A_242 : vector<1280x1xf32> to vector<1280x3xf32>
    %mul3A_244 = arith.mulf %add3A_230, %mul3A_243 : vector<1280x3xf32>
    %slice3A_245 = vector.extract_strided_slice %sub3A_219 {offsets = [0, 1], sizes = [1280, 1], strides = [1, 1]} : vector<1280x3xf32> to vector<1280x1xf32>
    %slice3A_246 = vector.extract_strided_slice %mul3A_244 {offsets = [0, 2], sizes = [1280, 1], strides = [1, 1]} : vector<1280x3xf32> to vector<1280x1xf32>
    %mul3A_247 = arith.mulf %slice3A_245, %slice3A_246 : vector<1280x1xf32>
    %slice3A_248 = vector.extract_strided_slice %sub3A_219 {offsets = [0, 2], sizes = [1280, 1], strides = [1, 1]} : vector<1280x3xf32> to vector<1280x1xf32>
    %slice3A_249 = vector.extract_strided_slice %mul3A_244 {offsets = [0, 1], sizes = [1280, 1], strides = [1, 1]} : vector<1280x3xf32> to vector<1280x1xf32>
    %mul3A_250 = arith.mulf %slice3A_248, %slice3A_249 : vector<1280x1xf32>
    %sub3A_251 = arith.subf %mul3A_247, %mul3A_250 : vector<1280x1xf32>
    %slice3A_252 = vector.extract_strided_slice %sub3A_219 {offsets = [0, 2], sizes = [1280, 1], strides = [1, 1]} : vector<1280x3xf32> to vector<1280x1xf32>
    %slice3A_253 = vector.extract_strided_slice %mul3A_244 {offsets = [0, 0], sizes = [1280, 1], strides = [1, 1]} : vector<1280x3xf32> to vector<1280x1xf32>
    %mul3A_254 = arith.mulf %slice3A_252, %slice3A_253 : vector<1280x1xf32>
    %slice3A_255 = vector.extract_strided_slice %sub3A_219 {offsets = [0, 0], sizes = [1280, 1], strides = [1, 1]} : vector<1280x3xf32> to vector<1280x1xf32>
    %slice3A_256 = vector.extract_strided_slice %mul3A_244 {offsets = [0, 2], sizes = [1280, 1], strides = [1, 1]} : vector<1280x3xf32> to vector<1280x1xf32>
    %mul3A_257 = arith.mulf %slice3A_255, %slice3A_256 : vector<1280x1xf32>
    %sub3A_258 = arith.subf %mul3A_254, %mul3A_257 : vector<1280x1xf32>
    %slice3A_259 = vector.extract_strided_slice %sub3A_219 {offsets = [0, 0], sizes = [1280, 1], strides = [1, 1]} : vector<1280x3xf32> to vector<1280x1xf32>
    %slice3A_260 = vector.extract_strided_slice %mul3A_244 {offsets = [0, 1], sizes = [1280, 1], strides = [1, 1]} : vector<1280x3xf32> to vector<1280x1xf32>
    %mul3A_261 = arith.mulf %slice3A_259, %slice3A_260 : vector<1280x1xf32>
    %slice3A_262 = vector.extract_strided_slice %sub3A_219 {offsets = [0, 1], sizes = [1280, 1], strides = [1, 1]} : vector<1280x3xf32> to vector<1280x1xf32>
    %slice3A_263 = vector.extract_strided_slice %mul3A_244 {offsets = [0, 0], sizes = [1280, 1], strides = [1, 1]} : vector<1280x3xf32> to vector<1280x1xf32>
    %mul3A_264 = arith.mulf %slice3A_262, %slice3A_263 : vector<1280x1xf32>
    %sub3A_265 = arith.subf %mul3A_261, %mul3A_264 : vector<1280x1xf32>
    %concatenate3A_266 = tpu.concatenate %sub3A_251, %sub3A_258, %sub3A_265 in 1 : vector<1280x1xf32>, vector<1280x1xf32>, vector<1280x1xf32> -> vector<1280x3xf32>
    %sub3A_267 = arith.subf %add3A_241, %concatenate3A_266 : vector<1280x3xf32>
    %broadcast_in_dim3A_268 = arith.constant 0.000000e+00 : f32
    %broadcast_in_dim3A_269 = vector.broadcast %broadcast_in_dim3A_268 : f32 to vector<1280x2xf32>
    %concatenate3A_270 = tpu.concatenate %add3A_230, %sub3A_267, %broadcast_in_dim3A_269 in 1 : vector<1280x3xf32>, vector<1280x3xf32>, vector<1280x2xf32> -> vector<1280x8xf32>
    %swap3A_271 = arith.constant 0 : index
    %swap3A_272 = arith.constant 0 : index
    %swap3A_273 = vector.load %arg28[%swap3A_271, %swap3A_272] : memref<1280x8xf32, #tpu.memory_space<vmem>>, vector<1280x8xf32>
    tpu.vector_store %arg28[%swap3A_271, %swap3A_272], %concatenate3A_270 {strides = array<i32>} : memref<1280x8xf32, #tpu.memory_space<vmem>>, vector<1280x8xf32>,
    return
  }
  func.func @transform_0(%arg0: i32) -> (i32, i32) {
    %c0_i32 = arith.constant 0 : i32
    %c0_i32_0 = arith.constant 0 : i32
    return %arg0, %c0_i32 : i32, i32
  }
  func.func @transform_1(%arg0: i32) -> (i32, i32) {
    %c0_i32 = arith.constant 0 : i32
    %c0_i32_0 = arith.constant 0 : i32
    return %arg0, %c0_i32 : i32, i32
  }
  func.func @transform_2(%arg0: i32) -> (i32, i32) {
    %c0_i32 = arith.constant 0 : i32
    %c0_i32_0 = arith.constant 0 : i32
    return %arg0, %c0_i32 : i32, i32
  }
  func.func @transform_3(%arg0: i32) -> (i32, i32) {
    %add3A = arith.constant 250 : i32
    %add3A_0 = arith.addi %arg0, %add3A : i32
    %c0_i32 = arith.constant 0 : i32
    %c0_i32_1 = arith.constant 0 : i32
    return %add3A_0, %c0_i32 : i32, i32
  }
  func.func @transform_4(%arg0: i32) -> (i32, i32) {
    %c0_i32 = arith.constant 0 : i32
    %c0_i32_0 = arith.constant 0 : i32
    %c0_i32_1 = arith.constant 0 : i32
    return %c0_i32, %c0_i32_0 : i32, i32
  }
  func.func @transform_5(%arg0: i32) -> (i32, i32) {
    %c0_i32 = arith.constant 0 : i32
    %c0_i32_0 = arith.constant 0 : i32
    %c0_i32_1 = arith.constant 0 : i32
    return %c0_i32, %c0_i32_0 : i32, i32
  }
  func.func @transform_6(%arg0: i32) -> (i32, i32) {
    %c0_i32 = arith.constant 0 : i32
    %c0_i32_0 = arith.constant 0 : i32
    %c0_i32_1 = arith.constant 0 : i32
    return %c0_i32, %c0_i32_0 : i32, i32
  }
  func.func @transform_7(%arg0: i32) -> (i32, i32) {
    %c0_i32 = arith.constant 0 : i32
    %c0_i32_0 = arith.constant 0 : i32
    %c0_i32_1 = arith.constant 0 : i32
    return %c0_i32, %c0_i32_0 : i32, i32
  }
  func.func @transform_8(%arg0: i32) -> (i32, i32) {
    %c0_i32 = arith.constant 0 : i32
    %c0_i32_0 = arith.constant 0 : i32
    %c0_i32_1 = arith.constant 0 : i32
    return %c0_i32, %c0_i32_0 : i32, i32
  }
  func.func @transform_9(%arg0: i32) -> (i32, i32) {
    %c0_i32 = arith.constant 0 : i32
    %c0_i32_0 = arith.constant 0 : i32
    %c0_i32_1 = arith.constant 0 : i32
    return %c0_i32, %c0_i32_0 : i32, i32
  }
  func.func @transform_10(%arg0: i32) -> (i32, i32) {
    %c0_i32 = arith.constant 0 : i32
    %c0_i32_0 = arith.constant 0 : i32
    %c0_i32_1 = arith.constant 0 : i32
    return %c0_i32, %c0_i32_0 : i32, i32
  }
  func.func @transform_11(%arg0: i32) -> (i32, i32) {
    %c0_i32 = arith.constant 0 : i32
    %c0_i32_0 = arith.constant 0 : i32
    %c0_i32_1 = arith.constant 0 : i32
    return %c0_i32, %c0_i32_0 : i32, i32
  }
  func.func @transform_12(%arg0: i32) -> (i32, i32) {
    %c0_i32 = arith.constant 0 : i32
    %c0_i32_0 = arith.constant 0 : i32
    %c0_i32_1 = arith.constant 0 : i32
    return %c0_i32, %c0_i32_0 : i32, i32
  }
  func.func @transform_13(%arg0: i32) -> (i32, i32) {
    %c0_i32 = arith.constant 0 : i32
    %c0_i32_0 = arith.constant 0 : i32
    %c0_i32_1 = arith.constant 0 : i32
    return %c0_i32, %c0_i32_0 : i32, i32
  }
  func.func @transform_14(%arg0: i32) -> (i32, i32) {
    %c0_i32 = arith.constant 0 : i32
    %c0_i32_0 = arith.constant 0 : i32
    %c0_i32_1 = arith.constant 0 : i32
    return %c0_i32, %c0_i32_0 : i32, i32
  }
  func.func @transform_15(%arg0: i32) -> (i32, i32) {
    %c0_i32 = arith.constant 0 : i32
    %c0_i32_0 = arith.constant 0 : i32
    %c0_i32_1 = arith.constant 0 : i32
    return %c0_i32, %c0_i32_0 : i32, i32
  }
  func.func @transform_16(%arg0: i32) -> (i32, i32) {
    %c0_i32 = arith.constant 0 : i32
    %c0_i32_0 = arith.constant 0 : i32
    %c0_i32_1 = arith.constant 0 : i32
    return %c0_i32, %c0_i32_0 : i32, i32
  }
  func.func @transform_17(%arg0: i32) -> (i32, i32) {
    %c0_i32 = arith.constant 0 : i32
    %c0_i32_0 = arith.constant 0 : i32
    %c0_i32_1 = arith.constant 0 : i32
    return %c0_i32, %c0_i32_0 : i32, i32
  }
  func.func @transform_18(%arg0: i32) -> (i32, i32) {
    %c0_i32 = arith.constant 0 : i32
    %c0_i32_0 = arith.constant 0 : i32
    %c0_i32_1 = arith.constant 0 : i32
    return %c0_i32, %c0_i32_0 : i32, i32
  }
  func.func @transform_19(%arg0: i32) -> (i32, i32) {
    %c0_i32 = arith.constant 0 : i32
    %c0_i32_0 = arith.constant 0 : i32
    %c0_i32_1 = arith.constant 0 : i32
    return %c0_i32, %c0_i32_0 : i32, i32
  }
  func.func @transform_20(%arg0: i32) -> (i32, i32) {
    %c0_i32 = arith.constant 0 : i32
    %c0_i32_0 = arith.constant 0 : i32
    %c0_i32_1 = arith.constant 0 : i32
    return %c0_i32, %c0_i32_0 : i32, i32
  }
  func.func @transform_21(%arg0: i32) -> (i32, i32) {
    %c0_i32 = arith.constant 0 : i32
    %c0_i32_0 = arith.constant 0 : i32
    %c0_i32_1 = arith.constant 0 : i32
    return %c0_i32, %c0_i32_0 : i32, i32
  }
  func.func @transform_22(%arg0: i32) -> (i32, i32) {
    %c0_i32 = arith.constant 0 : i32
    %c0_i32_0 = arith.constant 0 : i32
    %c0_i32_1 = arith.constant 0 : i32
    return %c0_i32, %c0_i32_0 : i32, i32
  }
  func.func @transform_23(%arg0: i32) -> (i32, i32) {
    %c0_i32 = arith.constant 0 : i32
    %c0_i32_0 = arith.constant 0 : i32
    %c0_i32_1 = arith.constant 0 : i32
    return %c0_i32, %c0_i32_0 : i32, i32
  }
  func.func @transform_24(%arg0: i32) -> (i32, i32) {
    %c0_i32 = arith.constant 0 : i32
    %c0_i32_0 = arith.constant 0 : i32
    %c0_i32_1 = arith.constant 0 : i32
    return %c0_i32, %c0_i32_0 : i32, i32
  }
  func.func @transform_25(%arg0: i32) -> (i32, i32) {
    %c0_i32 = arith.constant 0 : i32
    %c0_i32_0 = arith.constant 0 : i32
    %c0_i32_1 = arith.constant 0 : i32
    return %c0_i32, %c0_i32_0 : i32, i32
  }
  func.func @transform_26(%arg0: i32) -> (i32, i32) {
    %c0_i32 = arith.constant 0 : i32
    %c0_i32_0 = arith.constant 0 : i32
    return %arg0, %c0_i32 : i32, i32
  }
  func.func @transform_27(%arg0: i32) -> (i32, i32) {
    %c0_i32 = arith.constant 0 : i32
    %c0_i32_0 = arith.constant 0 : i32
    return %arg0, %c0_i32 : i32, i32
  }
}

module attributes {stable_mosaic.version = 14 : i64} {
  func.func @_node_body(%arg0: i32, %arg1: memref<400x128xf32, #tpu.memory_space<vmem>>, %arg2: memref<32x400x8xf32, #tpu.memory_space<vmem>>, %arg3: memref<128x384xf32, #tpu.memory_space<vmem>>, %arg4: memref<1x384xf32, #tpu.memory_space<vmem>>, %arg5: memref<384x8xf32, #tpu.memory_space<vmem>>, %arg6: memref<1x8xf32, #tpu.memory_space<vmem>>, %arg7: memref<400x3xf32, #tpu.memory_space<vmem>>, %arg8: memref<400x3xf32, #tpu.memory_space<vmem>>) attributes {dimension_semantics = [#tpu.dimension_semantics<arbitrary>], iteration_bounds = array<i64: 25>, scalar_prefetch = 0 : i64, scratch_operands = 0 : i64, tpu.core_type = #tpu.core_type<tc>, window_params = [{transform_indices = @transform_0, window_bounds = array<i64: 400, 128>}, {transform_indices = @transform_1, window_bounds = array<i64: 32, 400, 8>}, {pipeline_mode = #tpu.pipeline_mode<synchronous>, transform_indices = @transform_2, window_bounds = array<i64: 128, 384>}, {pipeline_mode = #tpu.pipeline_mode<synchronous>, transform_indices = @transform_3, window_bounds = array<i64: 1, 384>}, {pipeline_mode = #tpu.pipeline_mode<synchronous>, transform_indices = @transform_4, window_bounds = array<i64: 384, 8>}, {pipeline_mode = #tpu.pipeline_mode<synchronous>, transform_indices = @transform_5, window_bounds = array<i64: 1, 8>}, {transform_indices = @transform_6, window_bounds = array<i64: 400, 3>}, {transform_indices = @transform_7, window_bounds = array<i64: 400, 3>}]} {
    %get3A = arith.constant 0 : index
    %get3A_0 = arith.constant 0 : index
    %get3A_1 = vector.load %arg1[%get3A, %get3A_0] : memref<400x128xf32, #tpu.memory_space<vmem>>, vector<400x128xf32>
    %get3A_2 = arith.constant 0 : index
    %get3A_3 = arith.constant 0 : index
    %get3A_4 = arith.constant 0 : index
    %get3A_5 = vector.load %arg2[%get3A_2, %get3A_3, %get3A_4] : memref<32x400x8xf32, #tpu.memory_space<vmem>>, vector<32x400x8xf32>
    %reduce_sum3A = arith.constant dense<0.000000e+00> : vector<400x8xf32>
    %reduce_sum3A_6 = vector.multi_reduction <add>, %get3A_5, %reduce_sum3A [0] : vector<32x400x8xf32> to vector<400x8xf32>
    %get3A_7 = arith.constant 0 : index
    %get3A_8 = arith.constant 0 : index
    %get3A_9 = vector.load %arg3[%get3A_7, %get3A_8] : memref<128x384xf32, #tpu.memory_space<vmem>>, vector<128x384xf32>
    %dot_general3A = arith.constant dense<0.000000e+00> : vector<400x384xf32>
    %dot_general3A_10 = tpu.matmul %get3A_1, %get3A_9, %dot_general3A {dimension_numbers = #tpu.dot_dimension_numbers<[1], [0], [0], [1], [0, 0, 1, 1], [], []>, transpose_lhs_hint = false} : vector<400x128xf32>, vector<128x384xf32>, vector<400x384xf32> -> vector<400x384xf32>
    %get3A_11 = arith.constant 0 : index
    %get3A_12 = arith.constant 0 : index
    %get3A_13 = vector.load %arg4[%get3A_11, %get3A_12] : memref<1x384xf32, #tpu.memory_space<vmem>>, vector<1x384xf32>
    %add3A = vector.broadcast %get3A_13 : vector<1x384xf32> to vector<400x384xf32>
    %add3A_14 = arith.addf %dot_general3A_10, %add3A : vector<400x384xf32>
    %max3A = arith.constant 0.000000e+00 : f32
    %max3A_15 = vector.broadcast %max3A : f32 to vector<400x384xf32>
    %max3A_16 = arith.maximumf %add3A_14, %max3A_15 : vector<400x384xf32>
    %get3A_17 = arith.constant 0 : index
    %get3A_18 = arith.constant 0 : index
    %get3A_19 = vector.load %arg5[%get3A_17, %get3A_18] : memref<384x8xf32, #tpu.memory_space<vmem>>, vector<384x8xf32>
    %dot_general3A_20 = arith.constant dense<0.000000e+00> : vector<400x8xf32>
    %dot_general3A_21 = tpu.matmul %max3A_16, %get3A_19, %dot_general3A_20 {dimension_numbers = #tpu.dot_dimension_numbers<[1], [0], [0], [1], [0, 0, 1, 1], [], []>, transpose_lhs_hint = false} : vector<400x384xf32>, vector<384x8xf32>, vector<400x8xf32> -> vector<400x8xf32>
    %get3A_22 = arith.constant 0 : index
    %get3A_23 = arith.constant 0 : index
    %get3A_24 = vector.load %arg6[%get3A_22, %get3A_23] : memref<1x8xf32, #tpu.memory_space<vmem>>, vector<1x8xf32>
    %add3A_25 = vector.broadcast %get3A_24 : vector<1x8xf32> to vector<400x8xf32>
    %add3A_26 = arith.addf %dot_general3A_21, %add3A_25 : vector<400x8xf32>
    %slice3A = vector.extract_strided_slice %reduce_sum3A_6 {offsets = [0, 0], sizes = [400, 3], strides = [1, 1]} : vector<400x8xf32> to vector<400x3xf32>
    %slice3A_27 = vector.extract_strided_slice %reduce_sum3A_6 {offsets = [0, 3], sizes = [400, 3], strides = [1, 1]} : vector<400x8xf32> to vector<400x3xf32>
    %slice3A_28 = vector.extract_strided_slice %add3A_26 {offsets = [0, 0], sizes = [400, 3], strides = [1, 1]} : vector<400x8xf32> to vector<400x3xf32>
    %slice3A_29 = vector.extract_strided_slice %add3A_26 {offsets = [0, 3], sizes = [400, 1], strides = [1, 1]} : vector<400x8xf32> to vector<400x1xf32>
    %mul3A = vector.broadcast %slice3A_29 : vector<400x1xf32> to vector<400x3xf32>
    %mul3A_30 = arith.mulf %mul3A, %slice3A : vector<400x3xf32>
    %add3A_31 = arith.addf %slice3A_28, %mul3A_30 : vector<400x3xf32>
    %swap3A = arith.constant 0 : index
    %swap3A_32 = arith.constant 0 : index
    %swap3A_33 = vector.load %arg7[%swap3A, %swap3A_32] : memref<400x3xf32, #tpu.memory_space<vmem>>, vector<400x3xf32>
    tpu.vector_store %arg7[%swap3A, %swap3A_32], %add3A_31 {strides = array<i32>} : memref<400x3xf32, #tpu.memory_space<vmem>>, vector<400x3xf32>,
    %slice3A_34 = vector.extract_strided_slice %add3A_26 {offsets = [0, 4], sizes = [400, 1], strides = [1, 1]} : vector<400x8xf32> to vector<400x1xf32>
    %mul3A_35 = vector.broadcast %slice3A_34 : vector<400x1xf32> to vector<400x3xf32>
    %mul3A_36 = arith.mulf %mul3A_35, %slice3A_27 : vector<400x3xf32>
    %swap3A_37 = arith.constant 0 : index
    %swap3A_38 = arith.constant 0 : index
    %swap3A_39 = vector.load %arg8[%swap3A_37, %swap3A_38] : memref<400x3xf32, #tpu.memory_space<vmem>>, vector<400x3xf32>
    tpu.vector_store %arg8[%swap3A_37, %swap3A_38], %mul3A_36 {strides = array<i32>} : memref<400x3xf32, #tpu.memory_space<vmem>>, vector<400x3xf32>,
    return
  }
  func.func @transform_0(%arg0: i32) -> (i32, i32) {
    %c0_i32 = arith.constant 0 : i32
    %c0_i32_0 = arith.constant 0 : i32
    return %arg0, %c0_i32 : i32, i32
  }
  func.func @transform_1(%arg0: i32) -> (i32, i32, i32) {
    %c0_i32 = arith.constant 0 : i32
    %c0_i32_0 = arith.constant 0 : i32
    %c0_i32_1 = arith.constant 0 : i32
    return %c0_i32, %arg0, %c0_i32_0 : i32, i32, i32
  }
  func.func @transform_2(%arg0: i32) -> (i32, i32) {
    %c0_i32 = arith.constant 0 : i32
    %c0_i32_0 = arith.constant 0 : i32
    %c0_i32_1 = arith.constant 0 : i32
    return %c0_i32, %c0_i32_0 : i32, i32
  }
  func.func @transform_3(%arg0: i32) -> (i32, i32) {
    %c0_i32 = arith.constant 0 : i32
    %c0_i32_0 = arith.constant 0 : i32
    %c0_i32_1 = arith.constant 0 : i32
    return %c0_i32, %c0_i32_0 : i32, i32
  }
  func.func @transform_4(%arg0: i32) -> (i32, i32) {
    %c0_i32 = arith.constant 0 : i32
    %c0_i32_0 = arith.constant 0 : i32
    %c0_i32_1 = arith.constant 0 : i32
    return %c0_i32, %c0_i32_0 : i32, i32
  }
  func.func @transform_5(%arg0: i32) -> (i32, i32) {
    %c0_i32 = arith.constant 0 : i32
    %c0_i32_0 = arith.constant 0 : i32
    %c0_i32_1 = arith.constant 0 : i32
    return %c0_i32, %c0_i32_0 : i32, i32
  }
  func.func @transform_6(%arg0: i32) -> (i32, i32) {
    %c0_i32 = arith.constant 0 : i32
    %c0_i32_0 = arith.constant 0 : i32
    return %arg0, %c0_i32 : i32, i32
  }
  func.func @transform_7(%arg0: i32) -> (i32, i32) {
    %c0_i32 = arith.constant 0 : i32
    %c0_i32_0 = arith.constant 0 : i32
    return %arg0, %c0_i32 : i32, i32
  }
}

</mosaic_0001>

<sc_bundles>
// kernel: kernel.6.cloned.1.call-start
scs
__scs_entry_jumppad:
0x0: {  	(pc) =	sbr.rel $0x88, $3  }
0x1: {  	(tag) =	ssettag $0x0;
	lr =	simm.s32 $0x1  }
0x2: {  	[smem:$0x3F6A] =	sst lr;
	_ =	strace $0xD0000000  }
0x3: {  	_ = 	snop  }
0x4: {  	_ = 	snop  }
0x5: {  	_ = 	snop  }
0x6: {  	_ = 	snop  }
0x7: {  	_ = 	snop  }
__scs_overlays_trampoline_lowered:
0x8: {  	[smem:$0x3F79] =	sst s0  }
0x9: {  	[smem:$0x3F7A] =	sst s1  }
0xa: {  	[smem:$0x3F7B] =	sst s2  }
0xb: {  	[smem:$0x3F7C] =	sst s3  }
0xc: {  	[smem:$0x3F7D] =	sst s4  }
0xd: {  	[smem:$0x3F7E] =	sst s5  }
0xe: {  	[smem:$0x3F7F] =	sst s6  }
0xf: {  	[smem:$0x3F80] =	sst s7  }
0x10: {  	[smem:$0x3F81] =	sst s8  }
0x11: {  	[smem:$0x3F82] =	sst s9;
	s0 =	simm.s32 @!p0 $0x0  }
0x12: {  	s1 =	sld [smem:$0x3F68];
	s0 =	simm.s32 @p0 $0x1  }
0x13: {  	[smem:$0x3F83] =	sst s0;
	s0 =	simm.s32 @!p1 $0x0  }
0x14: {  	s2 =	sld [smem:$0x3F67];
	s0 =	simm.s32 @p1 $0x1  }
0x15: {  	[smem:$0x3F84] =	sst s0;
	s0 =	simm.s32 @!p2 $0x0  }
0x16: {  	s3 =	sld [smem:$0x3FDB];
	s0 =	simm.s32 @p2 $0x1  }
0x17: {  	s4 =	simm.s32 $0x1BF5;
	[smem:$0x3F86] =	sst s0  }
0x18: {  	s0 =	sld [smem:$0x3F69];
	_ =	swait.ge [sflag:s4], $0x0  }
0x19: {  	s7 =	sld [smem:$0x3F6A]  }
0x1a: {  	s8 =	sadd.s32 $0xFFFFE003, lr  }
0x1b: {  	s9 =	sadd.s32 $0xFFFFFEF7, lr;
	s5 =	simm.s32 $0xFFFFFFFF;
	p2 =	slt.u32 s8, $0xFFFFF086  }
0x1c: {  	p1 =	slt.u32 s9, $0xF7A;
	s5 =	simm.s32 @!p2 $0x0  }
0x1d: {  	s5 =	simm.s32 @p1 $0x1;
	p0 =	seq.s32 s7, s2  }
0x1e: {  	s7 =	smul.u32 @!p0 $0xF7A, s2;
	p2 =	seq.s32 @!p0 s5, $0x0  }
0x1f: {  	s9 =	smul.u32 $0xF7A, s1;
	s8 =	simm.s32 @!p0 $0x1BF5;
	p2 =	por !p2, p0  }
0x20: {  	[sflag:s8] =	ssyncset.s32 @!p0 $0xFFFFF086;
	s6 =	sadd.s32 @!p0 s3, s7;
	s7 =	simm.s32 @!p0 $0x108  }
0x21: {  	s3 =	sadd.s32 s3, s9;
	s6 =	sadd.s32 @!p0 $0x88, s6;
	s7 =	simm.s32 @p2 $0x1082  }
0x22: {  	[simem:s7], [sflag:s8] =	dma.local @!p0 [hbm:s6], $0xF7A  }
0x23: {  	s9 =	sor.u32 $0xD0000000, s2;
	s6 =	simm.s32 $0x108;
	_ =	swait.ge @!p0 [sflag:s8], $0x0  }
0x24: {  	s3 =	sadd.s32 $0x88, s3;
	s6 =	simm.s32 @!p1 $0x1082;
	[sflag:s4] =	ssyncset.s32 $0xFFFFF086  }
0x25: {  	[simem:s6], [sflag:s4] =	dma.local [hbm:s3], $0xF7A  }
0x26: {  	[smem:$0x3F6A] =	sst s1;
	(tag) =	ssettag s2;
	_ =	strace s9  }
0x27: {  	s1 =	sld [smem:$0x3F7A]  }
0x28: {  	s2 =	sld [smem:$0x3F7B]  }
0x29: {  	s4 =	sld [smem:$0x3F7D]  }
0x2a: {  	p0 =	seq.s32 s5, $0x0;
	s5 =	sld [smem:$0x3F7E]  }
0x2b: {  	s6 =	sld [smem:$0x3F7F]  }
0x2c: {  	s7 =	sld [smem:$0x3F80]  }
0x2d: {  	s3 =	simm.s32 $0x108;
	s8 =	sld [smem:$0x3F81]  }
0x2e: {  	s3 =	simm.s32 @!p0 $0x1082;
	s9 =	sld [smem:$0x3F82]  }
0x2f: {  	lr =	sadd.s32 s0, s3;
	s0 =	sld [smem:$0x3F79]  }
0x30: {  	s3 =	sld [smem:$0x3F7C]  }
0x31: {  	[smem:$0x3F85] =	sst s10  }
0x32: {  	s10 =	sld [smem:$0x3F83];
	_ =	sdelay $0x3  }
0x33: {  	p0 =	seq.s32 s10, $0x1;
	s10 =	sld [smem:$0x3F85];
	_ =	sdelay $0x3  }
0x34: {  	[smem:$0x3F85] =	sst s10  }
0x35: {  	s10 =	sld [smem:$0x3F84];
	_ =	sdelay $0x3  }
0x36: {  	p1 =	seq.s32 s10, $0x1;
	s10 =	sld [smem:$0x3F85];
	_ =	sdelay $0x3  }
0x37: {  	[smem:$0x3F85] =	sst s10  }
0x38: {  	s10 =	sld [smem:$0x3F86]  }
0x39: {  	_ = 	snop;
	(pc) =	sbr.ind lr, $3  }
0x3a: {  	_ = 	snop  }
0x3b: {  	_ = 	snop  }
0x3c: {  	p2 =	seq.s32 s10, $0x1;
	s10 =	sld [smem:$0x3F85]  }
0x3d: {  	_ =	shalt  }
0x3e: {  	_ =	shalt  }
0x3f: {  	_ =	shalt  }
0x40: {  	_ =	shalt  }
0x41: {  	_ =	shalt  }
0x42: {  	_ =	shalt  }
0x43: {  	_ =	shalt  }
0x44: {  	_ =	shalt  }
0x45: {  	_ =	shalt  }
0x46: {  	_ =	shalt  }
0x47: {  	_ =	shalt  }
0x48: {  	_ =	shalt  }
0x49: {  	_ =	shalt  }
0x4a: {  	_ =	shalt  }
0x4b: {  	_ =	shalt  }
0x4c: {  	_ =	shalt  }
0x4d: {  	_ =	shalt  }
0x4e: {  	_ =	shalt  }
0x4f: {  	_ =	shalt  }
0x50: {  	_ =	shalt  }
0x51: {  	_ =	shalt  }
0x52: {  	_ =	shalt  }
0x53: {  	_ =	shalt  }
0x54: {  	_ =	shalt  }
0x55: {  	_ =	shalt  }
0x56: {  	_ =	shalt  }
0x57: {  	_ =	shalt  }
0x58: {  	_ =	shalt  }
0x59: {  	_ =	shalt  }
0x5a: {  	_ =	shalt  }
0x5b: {  	_ =	shalt  }
0x5c: {  	_ =	shalt  }
0x5d: {  	_ =	shalt  }
0x5e: {  	_ =	shalt  }
0x5f: {  	_ =	shalt  }
0x60: {  	_ =	shalt  }
0x61: {  	_ =	shalt  }
0x62: {  	_ =	shalt  }
0x63: {  	_ =	shalt  }
0x64: {  	_ =	shalt  }
0x65: {  	_ =	shalt  }
0x66: {  	_ =	shalt  }
0x67: {  	_ =	shalt  }
0x68: {  	_ =	shalt  }
0x69: {  	_ =	shalt  }
0x6a: {  	_ =	shalt  }
0x6b: {  	_ =	shalt  }
0x6c: {  	_ =	shalt  }
0x6d: {  	_ =	shalt  }
0x6e: {  	_ =	shalt  }
0x6f: {  	_ =	shalt  }
0x70: {  	_ =	shalt  }
0x71: {  	_ =	shalt  }
0x72: {  	_ =	shalt  }
0x73: {  	_ =	shalt  }
0x74: {  	_ =	shalt  }
0x75: {  	_ =	shalt  }
0x76: {  	_ =	shalt  }
0x77: {  	_ =	shalt  }
0x78: {  	_ =	shalt  }
0x79: {  	_ =	shalt  }
0x7a: {  	_ =	shalt  }
0x7b: {  	_ =	shalt  }
0x7c: {  	_ =	shalt  }
0x7d: {  	_ =	shalt  }
0x7e: {  	_ =	shalt  }
0x7f: {  	_ =	shalt  }
0x80: {  	_ =	shalt  }
0x81: {  	_ =	shalt  }
0x82: {  	_ =	shalt  }
0x83: {  	_ =	shalt  }
0x84: {  	_ =	shalt  }
0x85: {  	_ =	shalt  }
0x86: {  	_ =	shalt  }
0x87: {  	_ =	shalt  }
.Lfunc_end0:
.L_simem_size_0:
called_computation_lowered:
.L_overlay_start_0:
0x88: {  	s2 =	sld [smem:$0x3FD9]  }
0x89: {  	s3 =	sld [smem:$0x3FFE];
	_ =	sdelay $0x1  }
0x8a: {  	s1 =	srdreg.scid  }
0x8b: {  	s0 =	sand.u32 $0x1, s1  }
0x8c: {  	s17 =	sshll.u32 s0, $0xA;
	s2 =	sadd.s32 s3, s2  }
0x8d: {  	s2 =	sadd.s32 s2, s17  }
0x8e: {  	[smem:$0x3F91] =	sst s2  }
0x8f: {  	_ = 	snop  }
0x90: {  	s2 =	sld [smem:$0x3FBD];
	(tm) =	ssettm $0x1  }
0x91: {  	s18 =	sld [smem:$0x3FFB];
	_ =	sdelay $0x3  }
0x92: {  	_ =	strace s18  }
0x93: {  	s3 =	sld [smem:$0x3FFC];
	_ =	sdelay $0x3  }
0x94: {  	_ =	strace s3  }
0x95: {  	s3 =	sld [smem:$0x3FFD];
	_ =	sdelay $0x3  }
0x96: {  	_ =	strace s3  }
0x97: {  	_ =	strace $0x8FFFFFFF  }
0x98: {  	s19 =	sld [smem:$0x3FDB];
	_ =	sdelay $0x1  }
0x99: {  	s4 =	simm.s32 $_scs_section_size  }
0x9a: {  	s5 =	simm.s32 $_size__tile_overlayer_lowered;
	s6 =	simm.s32 $_tile_overlayer_lowered  }
0x9b: {  	s22 =	simm.s32 $0x1BFF;
	s21 =	sshll.u32 s6, $0x1;
	s3 =	sadd.s32 s4, s19  }
0x9c: {  	s7 =	simm.s32 $0x0;
	s20 =	sshll.u32 s5, $0x1;
	s5 =	sadd.s32 s21, s3  }
0x9d: {  	[timem:s7], [sflag:s22] =	dma.local [hbm:s5], s20  }
0x9e: {  	_ =	swait.ge [sflag:s22], s20  }
0x9f: {  	s4 =	ssub.s32 $0x0, s20;
	[sflag:s22] =	ssyncset.done $0x0  }
0xa0: {  	[sflag:s22] =	ssyncadd.s32 s4;
	_ =	sdelay $0x1  }
0xa1: {  	s23 =	simm.s32 $0x1B8B  }
0xa2: {  	_ =	swait.ge [sflag:s23], $0x1  }
0xa3: {  	[sflag:s23] =	ssyncset.done $0x0  }
0xa4: {  	s25 =	simm.s32 $0x1B8E;
	s24 =	sld [smem:$0x3FFE];
	[sflag:s23] =	ssyncadd.s32 $0xFFFFFFFF  }
0xa5: {  	s26 =	simm.s32 $execute0_lowered;
	[smem:$0x3FD2] =	sst s25  }
0xa6: {  	s5 =	sshll.u32 s26, $0x1;
	_ =	strace $0x80000046;
	[dreg:$0x1] =	wrdreg $0xFFFFFFFF  }
0xa7: {  	s28 =	simm.s32 $_size_execute0_lowered;
	s3 =	sadd.s32 s3, s5;
	[dreg:$0x0] =	wrdreg $0x0  }
0xa8: {  	s5 =	sshll.u32 s28, $0x1;
	[dreg:$0x2] =	wrdreg s3  }
0xa9: {  	[dreg:$0x3] =	wrdreg s5  }
0xaa: {  	[dreg:$0x4] =	wrdreg $0xC0  }
0xab: {  	_ =	task [dreg:s7], $0x5FFFF  }
0xac: {  	[dreg:$0x1] =	wrdreg $0xFFFFFFFF  }
0xad: {  	[dreg:$0x0] =	wrdreg $0x60  }
0xae: {  	[dreg:$0x2] =	wrdreg s24  }
0xaf: {  	[dreg:$0x3] =	wrdreg s2  }
0xb0: {  	[dreg:$0x4] =	wrdreg $0x9  }
0xb1: {  	_ =	task.clear_ibuf [dreg:s7], $0x5FFFF;
	_ =	strace $0x90000046  }
0xb2: {  	s29 =	simm.s32 $0x9;
	_ =	strace $0x80000048  }
0xb3: {  	_ =	swait.ge [sflag:s29], $0x1  }
0xb4: {  	[sflag:s29] =	ssyncadd.s32 $0xFFFFFFFF  }
0xb5: {  	_ =	strace $0x90000048  }
0xb6: {  	_ =	sfence  }
0xb7: {  	s30 =	sld [smem:$0x0];
	_ =	sdelay $0x2  }
0xb8: {  	s31 =	sshll.u32 s1, $0xD;
	s1 =	sshrl.u32 s1, $0x2  }
0xb9: {  	s3 =	sand.u32 $0x4000, s31;
	s1 =	sadd.s32 s1, s30  }
0xba: {  	s0 =	sor.u32 s3, s0;
	s1 =	sshll.u32 s1, $0x11  }
0xbb: {  	s0 =	sor.u32 s1, s0  }
0xbc: {  	s0 =	sadd.s32 $0x8F2B, s0  }
0xbd: {  	[sflag:s0] =	ssyncadd.remote.s32 $0x1  }
0xbe: {  	_ =	sfence.sel $0xFFFF  }
0xbf: {  	[dreg:$0x0] =	wrdreg $0xFFFFFFFF;
	(pc) =	sbr.abs _section_cstart, $3  }
0xc0: {  	[dreg:$0x1] =	wrdreg $0xFFFFFFFF  }
0xc1: {  	_ =	task.clear_ibuf [dreg:s7], $0x2FFFF;
	_ =	strace $0x9FFFFFFF  }
0xc2: {  	(tm) =	ssettm $0x7FFFFFFF  }
0xc3: {  	_ =	shalt  }
tec
execute0_lowered:
.L_overlay_start_1:
0x0: {  	(tag) =	ssettag $0x1  }
0x1: {  	s4 =	rddreg [dreg:$0x0]  }
0x2: {  	s2 =	rddreg [dreg:$0x1]  }
0x3: {  	s0 =	rddreg [dreg:$0x2];
	s1 =	stileid.u32  }
0x4: {  	s3 =	simm.s32 $0x0;
	s6 =	srdreg.scid;
	s11 =	simm.s32 $0x100  }
0x5: {  	s12 =	simm.s32 $0x8400;
	s13 =	simm.s32 $0x180;
	s14 =	simm.s32 $0xC400  }
0x6: {  	s15 =	simm.s32 $0x1;
	s16 =	simm.s32 $0x200;
	s17 =	simm.s32 $0x280  }
0x7: {  	s18 =	simm.s32 $0x300;
	s19 =	simm.s32 $0x380;
	s5 =	smul.u32 $0x1500, s1  }
0x8: {  	s20 =	simm.s32 $0x0;
	s7 =	smul.u32 $0xA8000, s1;
	s6 =	sand.u32 $0x1, s6  }
0x9: {  	[smem:$0x7FF] =	sst s3;
	s8 =	ssub.s32 $0x2, s6;
	s9 =	smul.u32 $0xA80, s6  }
0xa: {  	_ =	strace $0x80000047;
	s6 =	smul.u32 $0x54000, s6;
	s10 =	sshrl.u32 s8, $0x1  }
0xb: {  	s5 =	sadd.s32 s5, s4;
	s7 =	sadd.s32 s7, s4;
	s31 =	ssub.s32 s8, s10  }
0xc: {  	s5 =	sadd.s32 s9, s5;
	s6 =	sadd.s32 s6, s7;
	s7 =	simm.s32 $0x2  }
0xd: {  	s8 =	simm.s32 $0x80;
	s9 =	simm.s32 $0x400;
	s10 =	simm.s32 $0x4400  }
0xe: {  	s4 =	smax.u32 s31, $0x1;
	s5 =	sadd.s32 $0x14E00, s5;
	s6 =	sadd.s32 $0x29E00, s6  }
.LBB2_1:
0xf: {  	s21 =	sadd.s32 $0x0, s5  }
0x10: {  	[tilespmem:s3], [sflag:$0x2] =	stream.linear.gather [hbm4b:s21+s3], $0x400, $0x38;
	[tilespmem:$0x10400] =	vst v63  }
0x11: {  	_ =	swait.ge [sflag:s7], $0x400  }
0x12: {  	[sflag:s7] =	ssyncset.done $0x0  }
0x13: {  	[sflag:s7] =	ssyncadd.s32 $0xFFFFFC00  }
0x14: {  	[tilespmem:s9], [sflag:$0x1] =	stream.indirect.gather [hbm4b:s2+s8], $0x80, s3, s8, $0xb8;
	[tilespmem:$0x10400] =	vst v63  }
0x15: {  	_ = 	snop  }
0x16: {  	[tilespmem:s10], [sflag:$0x1] =	stream.indirect.gather [hbm4b:s2+s8], $0x80, s8, s8, $0xb8;
	[tilespmem:$0x10400] =	vst v63  }
0x17: {  	_ = 	snop  }
0x18: {  	[tilespmem:s12], [sflag:$0x1] =	stream.indirect.gather [hbm4b:s2+s8], $0x80, s11, s8, $0xb8;
	[tilespmem:$0x10400] =	vst v63  }
0x19: {  	_ = 	snop  }
0x1a: {  	[tilespmem:s14], [sflag:$0x1] =	stream.indirect.gather [hbm4b:s2+s8], $0x80, s13, s8, $0xb8;
	[tilespmem:$0x10400] =	vst v63  }
0x1b: {  	_ =	swait.ge [sflag:s15], $0x4000  }
0x1c: {  	[sflag:s15] =	ssyncset.done $0x0  }
0x1d: {  	[sflag:s15] =	ssyncadd.s32 $0xFFFFC000  }
0x1e: {  	_ =	swait.ge [sflag:s15], $0x4000  }
0x1f: {  	[sflag:s15] =	ssyncset.done $0x0  }
0x20: {  	[sflag:s15] =	ssyncadd.s32 $0xFFFFC000  }
0x21: {  	_ =	swait.ge [sflag:s15], $0x4000  }
0x22: {  	[sflag:s15] =	ssyncset.done $0x0  }
0x23: {  	[sflag:s15] =	ssyncadd.s32 $0xFFFFC000  }
0x24: {  	_ =	swait.ge [sflag:s15], $0x4000  }
0x25: {  	[sflag:s15] =	ssyncset.done $0x0  }
0x26: {  	[sflag:s15] =	ssyncadd.s32 $0xFFFFC000  }
0x27: {  	[hbm4b:s6+s3] =	stream.linear.scatter [tilespmem:s9], [sflag:$0x2], $0x10000, $0x38;
	[tilespmem:$0x10400] =	vst v63  }
0x28: {  	_ =	swait.ge [sflag:s7], $0x10000  }
0x29: {  	[sflag:s7] =	ssyncset.done $0x0  }
0x2a: {  	[sflag:s7] =	ssyncadd.s32 $0xFFFF0000  }
0x2b: {  	[tilespmem:s9], [sflag:$0x1] =	stream.indirect.gather [hbm4b:s2+s8], $0x80, s16, s8, $0xb8;
	[tilespmem:$0x10400] =	vst v63  }
0x2c: {  	_ = 	snop  }
0x2d: {  	[tilespmem:s10], [sflag:$0x1] =	stream.indirect.gather [hbm4b:s2+s8], $0x80, s17, s8, $0xb8;
	[tilespmem:$0x10400] =	vst v63  }
0x2e: {  	_ = 	snop  }
0x2f: {  	[tilespmem:s12], [sflag:$0x1] =	stream.indirect.gather [hbm4b:s2+s8], $0x80, s18, s8, $0xb8;
	[tilespmem:$0x10400] =	vst v63  }
0x30: {  	_ = 	snop  }
0x31: {  	[tilespmem:s14], [sflag:$0x1] =	stream.indirect.gather [hbm4b:s2+s8], $0x80, s19, s8, $0xb8;
	[tilespmem:$0x10400] =	vst v63  }
0x32: {  	_ =	swait.ge [sflag:s15], $0x4000  }
0x33: {  	[sflag:s15] =	ssyncset.done $0x0  }
0x34: {  	[sflag:s15] =	ssyncadd.s32 $0xFFFFC000  }
0x35: {  	_ =	swait.ge [sflag:s15], $0x4000  }
0x36: {  	[sflag:s15] =	ssyncset.done $0x0  }
0x37: {  	[sflag:s15] =	ssyncadd.s32 $0xFFFFC000  }
0x38: {  	_ =	swait.ge [sflag:s15], $0x4000  }
0x39: {  	[sflag:s15] =	ssyncset.done $0x0  }
0x3a: {  	[sflag:s15] =	ssyncadd.s32 $0xFFFFC000  }
0x3b: {  	_ =	swait.ge [sflag:s15], $0x4000  }
0x3c: {  	[sflag:s15] =	ssyncset.done $0x0  }
0x3d: {  	s31 =	sadd.s32 $0x2000, s6;
	[sflag:s15] =	ssyncadd.s32 $0xFFFFC000  }
0x3e: {  	[hbm4b:s31+s3] =	stream.linear.scatter [tilespmem:s9], [sflag:$0x2], $0x10000, $0x38;
	[tilespmem:$0x10400] =	vst v63  }
0x3f: {  	s22 =	simm.s32 $0x80;
	_ =	swait.ge [sflag:s7], $0x10000  }
0x40: {  	s24 =	simm.s32 $0x100;
	s21 =	sadd.s32 $0x4000, s6;
	[sflag:s7] =	ssyncset.done $0x0  }
.LBB2_2:
0x41: {  	s25 =	sadd.s32 s22, s5  }
0x42: {  	[sflag:s7] =	ssyncadd.s32 $0xFFFF0000;
	s22 =	smov.u32 s24;
	s23 =	sadd.s32 $0x80, s24  }
0x43: {  	[tilespmem:s3], [sflag:$0x2] =	stream.linear.gather [hbm4b:s25+s3], $0x400, $0x38;
	[tilespmem:$0x10400] =	vst v63  }
0x44: {  	p0 =	sne.s32 s24, $0xA00;
	_ =	swait.ge [sflag:s7], $0x400  }
0x45: {  	[sflag:s7] =	ssyncset.done $0x0  }
0x46: {  	[sflag:s7] =	ssyncadd.s32 $0xFFFFFC00  }
0x47: {  	[tilespmem:s9], [sflag:$0x1] =	stream.indirect.gather [hbm4b:s2+s8], $0x80, s3, s8, $0xb8;
	[tilespmem:$0x10400] =	vst v63  }
0x48: {  	_ = 	snop  }
0x49: {  	[tilespmem:s10], [sflag:$0x1] =	stream.indirect.gather [hbm4b:s2+s8], $0x80, s8, s8, $0xb8;
	[tilespmem:$0x10400] =	vst v63  }
0x4a: {  	_ = 	snop  }
0x4b: {  	[tilespmem:s12], [sflag:$0x1] =	stream.indirect.gather [hbm4b:s2+s8], $0x80, s11, s8, $0xb8;
	[tilespmem:$0x10400] =	vst v63  }
0x4c: {  	_ = 	snop  }
0x4d: {  	[tilespmem:s14], [sflag:$0x1] =	stream.indirect.gather [hbm4b:s2+s8], $0x80, s13, s8, $0xb8;
	[tilespmem:$0x10400] =	vst v63  }
0x4e: {  	_ =	swait.ge [sflag:s15], $0x4000  }
0x4f: {  	[sflag:s15] =	ssyncset.done $0x0  }
0x50: {  	[sflag:s15] =	ssyncadd.s32 $0xFFFFC000  }
0x51: {  	_ =	swait.ge [sflag:s15], $0x4000  }
0x52: {  	[sflag:s15] =	ssyncset.done $0x0  }
0x53: {  	[sflag:s15] =	ssyncadd.s32 $0xFFFFC000  }
0x54: {  	_ =	swait.ge [sflag:s15], $0x4000  }
0x55: {  	[sflag:s15] =	ssyncset.done $0x0  }
0x56: {  	[sflag:s15] =	ssyncadd.s32 $0xFFFFC000  }
0x57: {  	_ =	swait.ge [sflag:s15], $0x4000  }
0x58: {  	[sflag:s15] =	ssyncset.done $0x0  }
0x59: {  	[sflag:s15] =	ssyncadd.s32 $0xFFFFC000  }
0x5a: {  	[hbm4b:s21+s3] =	stream.linear.scatter [tilespmem:s9], [sflag:$0x2], $0x10000, $0x38;
	[tilespmem:$0x10400] =	vst v63  }
0x5b: {  	_ =	swait.ge [sflag:s7], $0x10000  }
0x5c: {  	[sflag:s7] =	ssyncset.done $0x0  }
0x5d: {  	[sflag:s7] =	ssyncadd.s32 $0xFFFF0000  }
0x5e: {  	[tilespmem:s9], [sflag:$0x1] =	stream.indirect.gather [hbm4b:s2+s8], $0x80, s16, s8, $0xb8;
	[tilespmem:$0x10400] =	vst v63  }
0x5f: {  	_ = 	snop  }
0x60: {  	[tilespmem:s10], [sflag:$0x1] =	stream.indirect.gather [hbm4b:s2+s8], $0x80, s17, s8, $0xb8;
	[tilespmem:$0x10400] =	vst v63  }
0x61: {  	_ = 	snop  }
0x62: {  	[tilespmem:s12], [sflag:$0x1] =	stream.indirect.gather [hbm4b:s2+s8], $0x80, s18, s8, $0xb8;
	[tilespmem:$0x10400] =	vst v63  }
0x63: {  	_ = 	snop  }
0x64: {  	[tilespmem:s14], [sflag:$0x1] =	stream.indirect.gather [hbm4b:s2+s8], $0x80, s19, s8, $0xb8;
	[tilespmem:$0x10400] =	vst v63  }
0x65: {  	_ =	swait.ge [sflag:s15], $0x4000  }
0x66: {  	[sflag:s15] =	ssyncset.done $0x0  }
0x67: {  	[sflag:s15] =	ssyncadd.s32 $0xFFFFC000  }
0x68: {  	_ =	swait.ge [sflag:s15], $0x4000  }
0x69: {  	[sflag:s15] =	ssyncset.done $0x0  }
0x6a: {  	[sflag:s15] =	ssyncadd.s32 $0xFFFFC000  }
0x6b: {  	_ =	swait.ge [sflag:s15], $0x4000  }
0x6c: {  	[sflag:s15] =	ssyncset.done $0x0  }
0x6d: {  	[sflag:s15] =	ssyncadd.s32 $0xFFFFC000  }
0x6e: {  	_ =	swait.ge [sflag:s15], $0x4000  }
.Ltmp0:
0x6f: {  	[sflag:s15] =	ssyncset.done $0x0;
	(pc) =	sbr.rel @p0 .LBB2_2-.Ltmp0, $4  }
0x70: {  	s24 =	sadd.s32 $0x2000, s21;
	[sflag:s15] =	ssyncadd.s32 $0xFFFFC000  }
0x71: {  	[hbm4b:s24+s3] =	stream.linear.scatter [tilespmem:s9], [sflag:$0x2], $0x10000, $0x38;
	[tilespmem:$0x10400] =	vst v63  }
0x72: {  	_ =	swait.ge [sflag:s7], $0x10000  }
0x73: {  	s21 =	sadd.s32 $0x4000, s21;
	s24 =	smov.u32 s23;
	[sflag:s7] =	ssyncset.done $0x0  }
0x74: {  	s22 =	sadd.s32 s22, s5;
	[sflag:s7] =	ssyncadd.s32 $0xFFFF0000  }
0x75: {  	[tilespmem:s3], [sflag:$0x2] =	stream.linear.gather [hbm4b:s22+s3], $0x400, $0x38;
	[tilespmem:$0x10400] =	vst v63  }
0x76: {  	_ =	swait.ge [sflag:s7], $0x400  }
0x77: {  	[sflag:s7] =	ssyncset.done $0x0  }
0x78: {  	[sflag:s7] =	ssyncadd.s32 $0xFFFFFC00  }
0x79: {  	[tilespmem:s9], [sflag:$0x1] =	stream.indirect.gather [hbm4b:s2+s8], $0x80, s3, s8, $0xb8;
	[tilespmem:$0x10400] =	vst v63  }
0x7a: {  	_ = 	snop  }
0x7b: {  	[tilespmem:s10], [sflag:$0x1] =	stream.indirect.gather [hbm4b:s2+s8], $0x80, s8, s8, $0xb8;
	[tilespmem:$0x10400] =	vst v63  }
0x7c: {  	_ = 	snop  }
0x7d: {  	[tilespmem:s12], [sflag:$0x1] =	stream.indirect.gather [hbm4b:s2+s8], $0x80, s11, s8, $0xb8;
	[tilespmem:$0x10400] =	vst v63  }
0x7e: {  	_ = 	snop  }
0x7f: {  	[tilespmem:s14], [sflag:$0x1] =	stream.indirect.gather [hbm4b:s2+s8], $0x80, s13, s8, $0xb8;
	[tilespmem:$0x10400] =	vst v63  }
0x80: {  	_ =	swait.ge [sflag:s15], $0x4000  }
0x81: {  	[sflag:s15] =	ssyncset.done $0x0  }
0x82: {  	[sflag:s15] =	ssyncadd.s32 $0xFFFFC000  }
0x83: {  	_ =	swait.ge [sflag:s15], $0x4000  }
0x84: {  	[sflag:s15] =	ssyncset.done $0x0  }
0x85: {  	[sflag:s15] =	ssyncadd.s32 $0xFFFFC000  }
0x86: {  	_ =	swait.ge [sflag:s15], $0x4000  }
0x87: {  	[sflag:s15] =	ssyncset.done $0x0  }
0x88: {  	[sflag:s15] =	ssyncadd.s32 $0xFFFFC000  }
0x89: {  	_ =	swait.ge [sflag:s15], $0x4000  }
0x8a: {  	[sflag:s15] =	ssyncset.done $0x0  }
0x8b: {  	[sflag:s15] =	ssyncadd.s32 $0xFFFFC000  }
0x8c: {  	[hbm4b:s21+s3] =	stream.linear.scatter [tilespmem:s9], [sflag:$0x2], $0x10000, $0x38;
	[tilespmem:$0x10400] =	vst v63  }
0x8d: {  	_ =	swait.ge [sflag:s7], $0x10000  }
0x8e: {  	[sflag:s7] =	ssyncset.done $0x0  }
0x8f: {  	[sflag:s7] =	ssyncadd.s32 $0xFFFF0000  }
0x90: {  	[tilespmem:s9], [sflag:$0x1] =	stream.indirect.gather [hbm4b:s2+s8], $0x80, s16, s8, $0xb8;
	[tilespmem:$0x10400] =	vst v63  }
0x91: {  	_ = 	snop  }
0x92: {  	[tilespmem:s10], [sflag:$0x1] =	stream.indirect.gather [hbm4b:s2+s8], $0x80, s17, s8, $0xb8;
	[tilespmem:$0x10400] =	vst v63  }
0x93: {  	_ = 	snop  }
0x94: {  	[tilespmem:s12], [sflag:$0x1] =	stream.indirect.gather [hbm4b:s2+s8], $0x80, s18, s8, $0xb8;
	[tilespmem:$0x10400] =	vst v63  }
0x95: {  	_ = 	snop  }
0x96: {  	[tilespmem:s14], [sflag:$0x1] =	stream.indirect.gather [hbm4b:s2+s8], $0x80, s19, s8, $0xb8;
	[tilespmem:$0x10400] =	vst v63  }
0x97: {  	_ =	swait.ge [sflag:s15], $0x4000  }
0x98: {  	[sflag:s15] =	ssyncset.done $0x0  }
0x99: {  	[sflag:s15] =	ssyncadd.s32 $0xFFFFC000  }
0x9a: {  	_ =	swait.ge [sflag:s15], $0x4000  }
0x9b: {  	[sflag:s15] =	ssyncset.done $0x0  }
0x9c: {  	[sflag:s15] =	ssyncadd.s32 $0xFFFFC000  }
0x9d: {  	_ =	swait.ge [sflag:s15], $0x4000  }
0x9e: {  	[sflag:s15] =	ssyncset.done $0x0  }
0x9f: {  	[sflag:s15] =	ssyncadd.s32 $0xFFFFC000  }
0xa0: {  	s20 =	sadd.s32 $0x1, s20;
	_ =	swait.ge [sflag:s15], $0x4000  }
0xa1: {  	p0 =	sne.s32 s20, s4;
	[sflag:s15] =	ssyncset.done $0x0  }
.Ltmp1:
0xa2: {  	s31 =	sadd.s32 $0x2000, s21;
	[sflag:s15] =	ssyncadd.s32 $0xFFFFC000;
	(pc) =	sbr.rel @p0 .LBB2_1-.Ltmp1, $4  }
0xa3: {  	[hbm4b:s31+s3] =	stream.linear.scatter [tilespmem:s9], [sflag:$0x2], $0x10000, $0x38;
	[tilespmem:$0x10400] =	vst v63  }
0xa4: {  	_ =	swait.ge [sflag:s7], $0x10000  }
0xa5: {  	[sflag:s7] =	ssyncset.done $0x0  }
0xa6: {  	[sflag:s7] =	ssyncadd.s32 $0xFFFF0000  }
0xa7: {  	_ =	sfence.sel $0x180000  }
0xa8: {  	[bflag:$0x0] =	sbarrier.arrive $0xFFFF  }
0xa9: {  	p0 =	sne.s32 s1, $0x0;
	_ =	strace $0x90000047  }
0xaa: {  	s0 =	sadd.s32 @!p0 $0x100000, s0;
	[bflag:$0x2] =	sbarrier.arrive $0xFFFF  }
0xab: {  	[sflag:s0] =	ssyncadd.tile.s32 @!p0 $0x1;
	_ =	shalt  }
.Lfunc_end2:
_tile_overlayer_lowered:
.L_overlay_start_2:
0xac: {  	(tag) =	ssettag $0x2  }
0xad: {  	s0 =	rddreg [dreg:$0x0];
	s2 =	stileid.u32  }
0xae: {  	s1 =	rddreg [dreg:$0x1];
	p0 =	sne.s32 s2, $0x0  }
0xaf: {  	s3 =	rddreg [dreg:$0x2];
	[bflag:$0x3] =	sbarrier.arrive $0xFFFF;
	s2 =	simm.s32 @!p0 $0x1C02  }
0xb0: {  	[timem:s3], [sflag:s2] =	dma.local @!p0 [hbm:s0], s1  }
0xb1: {  	s0 =	simm.s32 @!p0 $0x2  }
0xb2: {  	_ =	swait.ge @!p0 [sflag:s0], s1  }
0xb3: {  	s1 =	ssub.s32 @!p0 $0x0, s1;
	[sflag:s0] =	ssyncset.done @!p0 $0x0  }
0xb4: {  	[sflag:s0] =	ssyncadd.s32 @!p0 s1  }
0xb5: {  	[bflag:$0x3] =	sbarrier.arrive $0xFFFF  }
0xb6: {  	_ =	shalt  }

// kernel: kernel.9.cloned.1.call-start
scs
__scs_entry_jumppad:
0x0: {  	(pc) =	sbr.rel $0x88, $3  }
0x1: {  	(tag) =	ssettag $0x0;
	lr =	simm.s32 $0x1  }
0x2: {  	[smem:$0x3F6A] =	sst lr;
	_ =	strace $0xD0000000  }
0x3: {  	_ = 	snop  }
0x4: {  	_ = 	snop  }
0x5: {  	_ = 	snop  }
0x6: {  	_ = 	snop  }
0x7: {  	_ = 	snop  }
__scs_overlays_trampoline_lowered:
0x8: {  	[smem:$0x3F79] =	sst s0  }
0x9: {  	[smem:$0x3F7A] =	sst s1  }
0xa: {  	[smem:$0x3F7B] =	sst s2  }
0xb: {  	[smem:$0x3F7C] =	sst s3  }
0xc: {  	[smem:$0x3F7D] =	sst s4  }
0xd: {  	[smem:$0x3F7E] =	sst s5  }
0xe: {  	[smem:$0x3F7F] =	sst s6  }
0xf: {  	[smem:$0x3F80] =	sst s7  }
0x10: {  	[smem:$0x3F81] =	sst s8  }
0x11: {  	[smem:$0x3F82] =	sst s9;
	s0 =	simm.s32 @!p0 $0x0  }
0x12: {  	s1 =	sld [smem:$0x3F68];
	s0 =	simm.s32 @p0 $0x1  }
0x13: {  	[smem:$0x3F83] =	sst s0;
	s0 =	simm.s32 @!p1 $0x0  }
0x14: {  	s2 =	sld [smem:$0x3F67];
	s0 =	simm.s32 @p1 $0x1  }
0x15: {  	[smem:$0x3F84] =	sst s0;
	s0 =	simm.s32 @!p2 $0x0  }
0x16: {  	s3 =	sld [smem:$0x3FDB];
	s0 =	simm.s32 @p2 $0x1  }
0x17: {  	s4 =	simm.s32 $0x1BF5;
	[smem:$0x3F86] =	sst s0  }
0x18: {  	s0 =	sld [smem:$0x3F69];
	_ =	swait.ge [sflag:s4], $0x0  }
0x19: {  	s7 =	sld [smem:$0x3F6A]  }
0x1a: {  	s8 =	sadd.s32 $0xFFFFE003, lr  }
0x1b: {  	s9 =	sadd.s32 $0xFFFFFEF7, lr;
	s5 =	simm.s32 $0xFFFFFFFF;
	p2 =	slt.u32 s8, $0xFFFFF086  }
0x1c: {  	p1 =	slt.u32 s9, $0xF7A;
	s5 =	simm.s32 @!p2 $0x0  }
0x1d: {  	s5 =	simm.s32 @p1 $0x1;
	p0 =	seq.s32 s7, s2  }
0x1e: {  	s7 =	smul.u32 @!p0 $0xF7A, s2;
	p2 =	seq.s32 @!p0 s5, $0x0  }
0x1f: {  	s9 =	smul.u32 $0xF7A, s1;
	s8 =	simm.s32 @!p0 $0x1BF5;
	p2 =	por !p2, p0  }
0x20: {  	[sflag:s8] =	ssyncset.s32 @!p0 $0xFFFFF086;
	s6 =	sadd.s32 @!p0 s3, s7;
	s7 =	simm.s32 @!p0 $0x108  }
0x21: {  	s3 =	sadd.s32 s3, s9;
	s6 =	sadd.s32 @!p0 $0x88, s6;
	s7 =	simm.s32 @p2 $0x1082  }
0x22: {  	[simem:s7], [sflag:s8] =	dma.local @!p0 [hbm:s6], $0xF7A  }
0x23: {  	s9 =	sor.u32 $0xD0000000, s2;
	s6 =	simm.s32 $0x108;
	_ =	swait.ge @!p0 [sflag:s8], $0x0  }
0x24: {  	s3 =	sadd.s32 $0x88, s3;
	s6 =	simm.s32 @!p1 $0x1082;
	[sflag:s4] =	ssyncset.s32 $0xFFFFF086  }
0x25: {  	[simem:s6], [sflag:s4] =	dma.local [hbm:s3], $0xF7A  }
0x26: {  	[smem:$0x3F6A] =	sst s1;
	(tag) =	ssettag s2;
	_ =	strace s9  }
0x27: {  	s1 =	sld [smem:$0x3F7A]  }
0x28: {  	s2 =	sld [smem:$0x3F7B]  }
0x29: {  	s4 =	sld [smem:$0x3F7D]  }
0x2a: {  	p0 =	seq.s32 s5, $0x0;
	s5 =	sld [smem:$0x3F7E]  }
0x2b: {  	s6 =	sld [smem:$0x3F7F]  }
0x2c: {  	s7 =	sld [smem:$0x3F80]  }
0x2d: {  	s3 =	simm.s32 $0x108;
	s8 =	sld [smem:$0x3F81]  }
0x2e: {  	s3 =	simm.s32 @!p0 $0x1082;
	s9 =	sld [smem:$0x3F82]  }
0x2f: {  	lr =	sadd.s32 s0, s3;
	s0 =	sld [smem:$0x3F79]  }
0x30: {  	s3 =	sld [smem:$0x3F7C]  }
0x31: {  	[smem:$0x3F85] =	sst s10  }
0x32: {  	s10 =	sld [smem:$0x3F83];
	_ =	sdelay $0x3  }
0x33: {  	p0 =	seq.s32 s10, $0x1;
	s10 =	sld [smem:$0x3F85];
	_ =	sdelay $0x3  }
0x34: {  	[smem:$0x3F85] =	sst s10  }
0x35: {  	s10 =	sld [smem:$0x3F84];
	_ =	sdelay $0x3  }
0x36: {  	p1 =	seq.s32 s10, $0x1;
	s10 =	sld [smem:$0x3F85];
	_ =	sdelay $0x3  }
0x37: {  	[smem:$0x3F85] =	sst s10  }
0x38: {  	s10 =	sld [smem:$0x3F86]  }
0x39: {  	_ = 	snop;
	(pc) =	sbr.ind lr, $3  }
0x3a: {  	_ = 	snop  }
0x3b: {  	_ = 	snop  }
0x3c: {  	p2 =	seq.s32 s10, $0x1;
	s10 =	sld [smem:$0x3F85]  }
0x3d: {  	_ =	shalt  }
0x3e: {  	_ =	shalt  }
0x3f: {  	_ =	shalt  }
0x40: {  	_ =	shalt  }
0x41: {  	_ =	shalt  }
0x42: {  	_ =	shalt  }
0x43: {  	_ =	shalt  }
0x44: {  	_ =	shalt  }
0x45: {  	_ =	shalt  }
0x46: {  	_ =	shalt  }
0x47: {  	_ =	shalt  }
0x48: {  	_ =	shalt  }
0x49: {  	_ =	shalt  }
0x4a: {  	_ =	shalt  }
0x4b: {  	_ =	shalt  }
0x4c: {  	_ =	shalt  }
0x4d: {  	_ =	shalt  }
0x4e: {  	_ =	shalt  }
0x4f: {  	_ =	shalt  }
0x50: {  	_ =	shalt  }
0x51: {  	_ =	shalt  }
0x52: {  	_ =	shalt  }
0x53: {  	_ =	shalt  }
0x54: {  	_ =	shalt  }
0x55: {  	_ =	shalt  }
0x56: {  	_ =	shalt  }
0x57: {  	_ =	shalt  }
0x58: {  	_ =	shalt  }
0x59: {  	_ =	shalt  }
0x5a: {  	_ =	shalt  }
0x5b: {  	_ =	shalt  }
0x5c: {  	_ =	shalt  }
0x5d: {  	_ =	shalt  }
0x5e: {  	_ =	shalt  }
0x5f: {  	_ =	shalt  }
0x60: {  	_ =	shalt  }
0x61: {  	_ =	shalt  }
0x62: {  	_ =	shalt  }
0x63: {  	_ =	shalt  }
0x64: {  	_ =	shalt  }
0x65: {  	_ =	shalt  }
0x66: {  	_ =	shalt  }
0x67: {  	_ =	shalt  }
0x68: {  	_ =	shalt  }
0x69: {  	_ =	shalt  }
0x6a: {  	_ =	shalt  }
0x6b: {  	_ =	shalt  }
0x6c: {  	_ =	shalt  }
0x6d: {  	_ =	shalt  }
0x6e: {  	_ =	shalt  }
0x6f: {  	_ =	shalt  }
0x70: {  	_ =	shalt  }
0x71: {  	_ =	shalt  }
0x72: {  	_ =	shalt  }
0x73: {  	_ =	shalt  }
0x74: {  	_ =	shalt  }
0x75: {  	_ =	shalt  }
0x76: {  	_ =	shalt  }
0x77: {  	_ =	shalt  }
0x78: {  	_ =	shalt  }
0x79: {  	_ =	shalt  }
0x7a: {  	_ =	shalt  }
0x7b: {  	_ =	shalt  }
0x7c: {  	_ =	shalt  }
0x7d: {  	_ =	shalt  }
0x7e: {  	_ =	shalt  }
0x7f: {  	_ =	shalt  }
0x80: {  	_ =	shalt  }
0x81: {  	_ =	shalt  }
0x82: {  	_ =	shalt  }
0x83: {  	_ =	shalt  }
0x84: {  	_ =	shalt  }
0x85: {  	_ =	shalt  }
0x86: {  	_ =	shalt  }
0x87: {  	_ =	shalt  }
.Lfunc_end0:
.L_simem_size_0:
called_computation.1_lowered:
.L_overlay_start_0:
0x88: {  	s2 =	sld [smem:$0x3FD9]  }
0x89: {  	s3 =	sld [smem:$0x3FFE];
	_ =	sdelay $0x1  }
0x8a: {  	s1 =	srdreg.scid  }
0x8b: {  	s0 =	sand.u32 $0x1, s1  }
0x8c: {  	s16 =	sshll.u32 s0, $0xA;
	s2 =	sadd.s32 s3, s2  }
0x8d: {  	s2 =	sadd.s32 s2, s16  }
0x8e: {  	[smem:$0x3F91] =	sst s2  }
0x8f: {  	_ = 	snop  }
0x90: {  	(tm) =	ssettm $0x1  }
0x91: {  	s17 =	sld [smem:$0x3FFB];
	_ =	sdelay $0x3  }
0x92: {  	_ =	strace s17  }
0x93: {  	s2 =	sld [smem:$0x3FFC];
	_ =	sdelay $0x3  }
0x94: {  	_ =	strace s2  }
0x95: {  	s2 =	sld [smem:$0x3FFD];
	_ =	sdelay $0x3  }
0x96: {  	_ =	strace s2  }
0x97: {  	_ =	strace $0x8FFFFFFF  }
0x98: {  	s18 =	sld [smem:$0x3FDB];
	_ =	sdelay $0x1  }
0x99: {  	s19 =	simm.s32 $_scs_section_size  }
0x9a: {  	s4 =	simm.s32 $_size__tile_overlayer_lowered;
	s5 =	simm.s32 $_tile_overlayer_lowered  }
0x9b: {  	s22 =	simm.s32 $0x1BFF;
	s21 =	sshll.u32 s5, $0x1;
	s2 =	sadd.s32 s19, s18  }
0x9c: {  	s6 =	simm.s32 $0x0;
	s20 =	sshll.u32 s4, $0x1;
	s4 =	sadd.s32 s21, s2  }
0x9d: {  	[timem:s6], [sflag:s22] =	dma.local [hbm:s4], s20  }
0x9e: {  	_ =	swait.ge [sflag:s22], s20  }
0x9f: {  	s3 =	ssub.s32 $0x0, s20;
	[sflag:s22] =	ssyncset.done $0x0  }
0xa0: {  	[sflag:s22] =	ssyncadd.s32 s3;
	_ =	sdelay $0x1  }
0xa1: {  	s23 =	simm.s32 $0x1B8B  }
0xa2: {  	_ =	swait.ge [sflag:s23], $0x1  }
0xa3: {  	[sflag:s23] =	ssyncset.done $0x0  }
0xa4: {  	s25 =	simm.s32 $0x1B8E;
	s24 =	sld [smem:$0x3FFE];
	[sflag:s23] =	ssyncadd.s32 $0xFFFFFFFF  }
0xa5: {  	s26 =	simm.s32 $execute0_lowered;
	[smem:$0x3FD2] =	sst s25  }
0xa6: {  	s4 =	sshll.u32 s26, $0x1;
	_ =	strace $0x80000049;
	[dreg:$0x1] =	wrdreg $0xFFFFFFFF  }
0xa7: {  	s28 =	simm.s32 $_size_execute0_lowered;
	s2 =	sadd.s32 s2, s4;
	[dreg:$0x0] =	wrdreg $0x0  }
0xa8: {  	s4 =	sshll.u32 s28, $0x1;
	[dreg:$0x2] =	wrdreg s2  }
0xa9: {  	[dreg:$0x3] =	wrdreg s4  }
0xaa: {  	[dreg:$0x4] =	wrdreg $0xC0  }
0xab: {  	_ =	task [dreg:s6], $0x5FFFF  }
0xac: {  	[dreg:$0x1] =	wrdreg $0xFFFFFFFF  }
0xad: {  	[dreg:$0x0] =	wrdreg $0x60  }
0xae: {  	[dreg:$0x2] =	wrdreg s24  }
0xaf: {  	[dreg:$0x3] =	wrdreg $0x9  }
0xb0: {  	_ =	task.clear_ibuf [dreg:s6], $0x4FFFF;
	_ =	strace $0x90000049  }
0xb1: {  	s29 =	simm.s32 $0x9;
	_ =	strace $0x8000004B  }
0xb2: {  	_ =	swait.ge [sflag:s29], $0x1  }
0xb3: {  	[sflag:s29] =	ssyncadd.s32 $0xFFFFFFFF  }
0xb4: {  	_ =	strace $0x9000004B  }
0xb5: {  	_ =	sfence  }
0xb6: {  	s30 =	sld [smem:$0x0];
	_ =	sdelay $0x2  }
0xb7: {  	s31 =	sshll.u32 s1, $0xD;
	s1 =	sshrl.u32 s1, $0x2  }
0xb8: {  	s3 =	sand.u32 $0x4000, s31;
	s1 =	sadd.s32 s1, s30  }
0xb9: {  	s0 =	sor.u32 s3, s0;
	s1 =	sshll.u32 s1, $0x11  }
0xba: {  	s0 =	sor.u32 s1, s0  }
0xbb: {  	s0 =	sadd.s32 $0x8F2B, s0  }
0xbc: {  	[sflag:s0] =	ssyncadd.remote.s32 $0x1  }
0xbd: {  	_ =	sfence.sel $0xFFFF  }
0xbe: {  	[dreg:$0x0] =	wrdreg $0xFFFFFFFF;
	(pc) =	sbr.abs _section_cstart, $3  }
0xbf: {  	[dreg:$0x1] =	wrdreg $0xFFFFFFFF  }
0xc0: {  	_ =	task.clear_ibuf [dreg:s6], $0x2FFFF;
	_ =	strace $0x9FFFFFFF  }
0xc1: {  	(tm) =	ssettm $0x7FFFFFFF  }
tec
execute0_lowered:
.L_overlay_start_1:
0x0: {  	(tag) =	ssettag $0x1  }
0x1: {  	s1 =	srdreg.scid;
	s0 =	stileid.u32  }
0x2: {  	s6 =	rddreg [dreg:$0x0];
	s2 =	simm.s32 $0x0;
	s9 =	simm.s32 $0x800  }
0x3: {  	s10 =	simm.s32 $0x4680;
	s4 =	sand.u32 $0x1, s1;
	s3 =	sshll.u32 s0, $0x1  }
0x4: {  	s11 =	simm.s32 $0x0;
	s1 =	rddreg [dreg:$0x1];
	s3 =	sor.u32 s4, s3  }
0x5: {  	[smem:$0x7FF] =	sst s2;
	s7 =	ssub.s32 $0x2, s4;
	s3 =	smul.u32 $0x2710, s3  }
0x6: {  	s5 =	sadd.s32 $0x14E00, s6;
	_ =	strace $0x8000004A;
	s8 =	sshrl.u32 s7, $0x1  }
0x7: {  	v1 =	vlaneseq.u32;
	s4 =	sadd.s32 $0xB000, s6;
	s7 =	ssub.s32 s7, s8;
	s6 =	sadd.s32 s3, s6  }
0x8: {  	v0 =	vimm.f32 $0.0e+00;
	v1 =	vmul.u32 $0x8, v1;
	s8 =	simm.s32 $0x1;
	s7 =	smax.u32 s7, $0x1;
	s6 =	sadd.s32 $0x63000, s6  }
.LBB2_1:
0x9: {  	s12 =	simm.s32 $0x40;
	s13 =	simm.s32 $0x0  }
.LBB2_2:
0xa: {  	p0 =	sne.s32 s12, $0x4E1C0;
	[tilespmem:s13+$0x4680] =	vst v0;
	s13 =	smov.u32 s12;
	s12 =	sadd.s32 $0x40, s12  }
.Ltmp0:
0xb: {  	(pc) =	sbr.rel @p0 .LBB2_2-.Ltmp0, $2  }
0xc: {  	_ =	sdelay $0x2  }
0xd: {  	s13 =	sshra.s32 s13, $0x2  }
0xe: {  	[tilespmem:s13+$0x4680] =	vst v0;
	s12 =	simm.s32 $0x0;
	s13 =	simm.s32 $0x0  }
.LBB2_4:
0xf: {  	s14 =	smul.u32 $0x7D0, s13;
	_ =	sdelay $0x1  }
0x10: {  	s14 =	sadd.s32 s3, s14  }
0x11: {  	s15 =	sshrl.u32 s14, $0x3  }
0x12: {  	s15 =	sadd.s32 s4, s15  }
0x13: {  	[tilespmem:s12], [sflag:$0x1] =	stream.linear.gather [hbm4b:s15+s12], $0x7D0, $0x38;
	[tilespmem:$0x17F00] =	vst v63  }
0x14: {  	_ =	swait.ge [sflag:s8], $0x7D0  }
0x15: {  	[sflag:s8] =	ssyncset.done $0x0  }
0x16: {  	s14 =	sadd.s32 s5, s14;
	[sflag:s8] =	ssyncadd.s32 $0xFFFFF830  }
0x17: {  	[tilespmem:s9], [sflag:$0x1] =	stream.linear.gather [hbm4b:s14+s12], $0x3E80, $0x38;
	[tilespmem:$0x17F00] =	vst v63  }
0x18: {  	_ =	swait.ge [sflag:s8], $0x3E80  }
0x19: {  	v2 =	vmov s12;
	[sflag:s8] =	ssyncset.done $0x0  }
0x1a: {  	v2 =	vshll.u32 v2, $0x3;
	[sflag:s8] =	ssyncadd.s32 $0xFFFFC180  }
0x1b: {  	v2 =	vor.u32 v1, v2;
	v3 =	vld [tilespmem:s12+$0x0];
	_ =	sdelay $0x4  }
0x1c: {  	v4 =	vld.idx.msk [tilespmem:v2+s9+$0x0], $0xffff;
	v3 =	vshll.u32 v3, $0x3  }
0x1d: {  	v5 =	vor.u32 $0x1, v2;
	_ =	sdelay $0x3  }
0x1e: {  	[tilespmem:v3+s10+$0x0] =	vst.idx.add.f32.msk $0xffff, v4  }
0x1f: {  	v4 =	vld.idx.msk [tilespmem:v5+s9+$0x0], $0xffff;
	v5 =	vor.u32 $0x1, v3  }
0x20: {  	v6 =	vor.u32 $0x2, v2;
	_ =	sdelay $0x3  }
0x21: {  	[tilespmem:v5+s10+$0x0] =	vst.idx.add.f32.msk $0xffff, v4  }
0x22: {  	v5 =	vor.u32 $0x2, v3;
	v4 =	vld.idx.msk [tilespmem:v6+s9+$0x0], $0xffff  }
0x23: {  	v6 =	vor.u32 $0x3, v2;
	_ =	sdelay $0x3  }
0x24: {  	[tilespmem:v5+s10+$0x0] =	vst.idx.add.f32.msk $0xffff, v4  }
0x25: {  	v5 =	vor.u32 $0x3, v3;
	v4 =	vld.idx.msk [tilespmem:v6+s9+$0x0], $0xffff  }
0x26: {  	v6 =	vor.u32 $0x4, v2;
	_ =	sdelay $0x3  }
0x27: {  	[tilespmem:v5+s10+$0x0] =	vst.idx.add.f32.msk $0xffff, v4  }
0x28: {  	v5 =	vor.u32 $0x4, v3;
	v4 =	vld.idx.msk [tilespmem:v6+s9+$0x0], $0xffff  }
0x29: {  	v2 =	vor.u32 $0x5, v2;
	_ =	sdelay $0x3  }
0x2a: {  	[tilespmem:v5+s10+$0x0] =	vst.idx.add.f32.msk $0xffff, v4  }
0x2b: {  	v3 =	vor.u32 $0x5, v3;
	v2 =	vld.idx.msk [tilespmem:v2+s9+$0x0], $0xffff  }
0x2c: {  	s31 =	simm.s32 $0x10  }
0x2d: {  	v4 =	vmov s31  }
0x2e: {  	s15 =	simm.s32 $0x0;
	s14 =	simm.s32 $0x20;
	v4 =	vshll.u32 v4, $0x3  }
.LBB2_5:
0x2f: {  	p0 =	sne.s32 s14, $0x7C0  }
0x30: {  	v4 =	vor.u32 v1, v4;
	[tilespmem:v3+s10+$0x0] =	vst.idx.add.f32.msk $0xffff, v2;
	s15 =	sadd.s32 $0x10, s15;
	s16 =	smov.u32 s14;
	s14 =	sadd.s32 $0x10, s14  }
0x31: {  	v2 =	vld [tilespmem:s15+$0x0];
	_ =	sdelay $0x3  }
0x32: {  	v3 =	vld.idx.msk [tilespmem:v4+s9+$0x0], $0xffff  }
0x33: {  	v5 =	vshll.u32 v2, $0x3  }
0x34: {  	v2 =	vor.u32 $0x1, v4;
	_ =	sdelay $0x3  }
0x35: {  	[tilespmem:v5+s10+$0x0] =	vst.idx.add.f32.msk $0xffff, v3  }
0x36: {  	v2 =	vld.idx.msk [tilespmem:v2+s9+$0x0], $0xffff  }
0x37: {  	v3 =	vor.u32 $0x1, v5  }
0x38: {  	v6 =	vor.u32 $0x2, v4;
	_ =	sdelay $0x3  }
0x39: {  	[tilespmem:v3+s10+$0x0] =	vst.idx.add.f32.msk $0xffff, v2  }
0x3a: {  	v2 =	vld.idx.msk [tilespmem:v6+s9+$0x0], $0xffff  }
0x3b: {  	v3 =	vor.u32 $0x2, v5  }
0x3c: {  	v6 =	vor.u32 $0x3, v4;
	_ =	sdelay $0x3  }
0x3d: {  	[tilespmem:v3+s10+$0x0] =	vst.idx.add.f32.msk $0xffff, v2  }
0x3e: {  	v2 =	vld.idx.msk [tilespmem:v6+s9+$0x0], $0xffff  }
0x3f: {  	v3 =	vor.u32 $0x3, v5  }
0x40: {  	v6 =	vor.u32 $0x4, v4;
	_ =	sdelay $0x3  }
0x41: {  	[tilespmem:v3+s10+$0x0] =	vst.idx.add.f32.msk $0xffff, v2  }
0x42: {  	v2 =	vld.idx.msk [tilespmem:v6+s9+$0x0], $0xffff  }
0x43: {  	v3 =	vor.u32 $0x4, v5  }
0x44: {  	v4 =	vor.u32 $0x5, v4;
	_ =	sdelay $0x3  }
0x45: {  	[tilespmem:v3+s10+$0x0] =	vst.idx.add.f32.msk $0xffff, v2  }
0x46: {  	v2 =	vld.idx.msk [tilespmem:v4+s9+$0x0], $0xffff  }
.Ltmp1:
0x47: {  	v3 =	vor.u32 $0x5, v5;
	(pc) =	sbr.rel @p0 .LBB2_5-.Ltmp1, $3  }
0x48: {  	_ =	sdelay $0x1  }
0x49: {  	v4 =	vmov s16  }
0x4a: {  	v4 =	vshll.u32 v4, $0x3  }
0x4b: {  	_ =	sdelay $0x3  }
0x4c: {  	[tilespmem:v3+s10+$0x0] =	vst.idx.add.f32.msk $0xffff, v2;
	s14 =	sadd.s32 $0x10, s15  }
0x4d: {  	v2 =	vor.u32 v1, v4;
	v3 =	vld [tilespmem:s14+$0x0];
	_ =	sdelay $0x4  }
0x4e: {  	v4 =	vld.idx.msk [tilespmem:v2+s9+$0x0], $0xffff;
	v3 =	vshll.u32 v3, $0x3  }
0x4f: {  	v5 =	vor.u32 $0x1, v2;
	_ =	sdelay $0x3  }
0x50: {  	[tilespmem:v3+s10+$0x0] =	vst.idx.add.f32.msk $0xffff, v4  }
0x51: {  	v58 =	vor.u32 $0x1, v3;
	v4 =	vld.idx.msk [tilespmem:v5+s9+$0x0], $0xffff  }
0x52: {  	v6 =	vor.u32 $0x2, v2;
	_ =	sdelay $0x3  }
0x53: {  	[tilespmem:v58+s10+$0x0] =	vst.idx.add.f32.msk $0xffff, v4  }
0x54: {  	v59 =	vor.u32 $0x2, v3;
	v4 =	vld.idx.msk [tilespmem:v6+s9+$0x0], $0xffff  }
0x55: {  	v60 =	vor.u32 $0x3, v2;
	_ =	sdelay $0x3  }
0x56: {  	[tilespmem:v59+s10+$0x0] =	vst.idx.add.f32.msk $0xffff, v4  }
0x57: {  	v61 =	vor.u32 $0x3, v3;
	v4 =	vld.idx.msk [tilespmem:v60+s9+$0x0], $0xffff  }
0x58: {  	v62 =	vor.u32 $0x4, v2;
	_ =	sdelay $0x3  }
0x59: {  	[tilespmem:v61+s10+$0x0] =	vst.idx.add.f32.msk $0xffff, v4  }
0x5a: {  	v63 =	vor.u32 $0x4, v3;
	v4 =	vld.idx.msk [tilespmem:v62+s9+$0x0], $0xffff  }
0x5b: {  	v2 =	vor.u32 $0x5, v2;
	_ =	sdelay $0x3  }
0x5c: {  	s13 =	sadd.s32 $0x1, s13;
	[tilespmem:v63+s10+$0x0] =	vst.idx.add.f32.msk $0xffff, v4  }
0x5d: {  	p0 =	sne.s32 s13, $0x5;
	v3 =	vor.u32 $0x5, v3;
	v2 =	vld.idx.msk [tilespmem:v2+s9+$0x0], $0xffff  }
.Ltmp2:
0x5e: {  	_ = 	snop;
	(pc) =	sbr.rel @p0 .LBB2_4-.Ltmp2, $2  }
0x5f: {  	_ =	sdelay $0x2  }
0x60: {  	[tilespmem:v3+s10+$0x0] =	vst.idx.add.f32.msk $0xffff, v2  }
0x61: {  	s11 =	sadd.s32 $0x1, s11  }
0x62: {  	p0 =	sne.s32 s11, s7  }
.Ltmp3:
0x63: {  	_ = 	snop;
	(pc) =	sbr.rel @p0 .LBB2_1-.Ltmp3, $4  }
0x64: {  	[hbm4b:s6+s2] =	stream.linear.scatter [tilespmem:s10], [sflag:$0x1], $0x13880, $0x38;
	[tilespmem:$0x17F00] =	vst v63  }
0x65: {  	_ =	swait.ge [sflag:s8], $0x13880  }
0x66: {  	[sflag:s8] =	ssyncset.done $0x0  }
0x67: {  	[sflag:s8] =	ssyncadd.s32 $0xFFFEC780  }
0x68: {  	_ =	sfence.sel $0x180000  }
0x69: {  	[bflag:$0x0] =	sbarrier.arrive $0xFFFF  }
0x6a: {  	p0 =	sne.s32 s0, $0x0;
	_ =	strace $0x9000004A  }
0x6b: {  	s0 =	sadd.s32 @!p0 $0x100000, s1;
	[bflag:$0x2] =	sbarrier.arrive $0xFFFF  }
0x6c: {  	[sflag:s0] =	ssyncadd.tile.s32 @!p0 $0x1;
	_ =	shalt  }
.Lfunc_end2:
_tile_overlayer_lowered:
.L_overlay_start_2:
0x6d: {  	(tag) =	ssettag $0x2  }
0x6e: {  	s0 =	rddreg [dreg:$0x0];
	s2 =	stileid.u32  }
0x6f: {  	s1 =	rddreg [dreg:$0x1];
	p0 =	sne.s32 s2, $0x0  }
0x70: {  	s3 =	rddreg [dreg:$0x2];
	[bflag:$0x3] =	sbarrier.arrive $0xFFFF;
	s2 =	simm.s32 @!p0 $0x1C01  }
0x71: {  	[timem:s3], [sflag:s2] =	dma.local @!p0 [hbm:s0], s1  }
0x72: {  	s0 =	simm.s32 @!p0 $0x1  }
0x73: {  	_ =	swait.ge @!p0 [sflag:s0], s1  }
0x74: {  	s1 =	ssub.s32 @!p0 $0x0, s1;
	[sflag:s0] =	ssyncset.done @!p0 $0x0  }
0x75: {  	[sflag:s0] =	ssyncadd.s32 @!p0 s1  }
0x76: {  	[bflag:$0x3] =	sbarrier.arrive $0xFFFF  }
0x77: {  	_ =	shalt  }

</sc_bundles>
